<compile_context>
chip_gen: v7x
topology: tpu7x:2x2x1
jax: 0.10.2.dev20260603
libtpu: 0.0.44.dev20260713+nightly
codegen_flags: <defaults>
</compile_context>

<pallas_src>
import functools

import jax
import jax.numpy as jnp
from jax import lax
from jax.experimental import pallas as pl
from jax.experimental.pallas import tpu as pltpu
from jax.experimental.pallas import tpu_sc as plsc

_NC = 2
_NS = 16
_NW = _NC * _NS

_BATCH = 16384
_D = 128
_CHUNK = 32


def _sc_gather_body(base_hbm, uidx_hbm, iidx_hbm, t_umf, t_imf, t_umlp,
                    t_imlp, wo_hbm,
                    o_umlp, o_imlp, o_s,
                    base_v, uidx_v, iidx_v, wo_v, sdot_v,
                    mf_u0, mf_u1, mf_i0, mf_i1,
                    ml_u0, ml_u1, ml_i0, ml_i1,
                    s_mfu0, s_mfu1, s_mfi0, s_mfi1,
                    s_mlu0, s_mlu1, s_mli0, s_mli1,
                    s_wbu0, s_wbu1, s_wbi0, s_wbi1,
                    batch=None):
  rows_per_w = batch // _NW
  n_chunks = rows_per_w // _CHUNK
  wid = lax.axis_index("s") * _NC + lax.axis_index("c")
  out_base = wid * rows_per_w

  pltpu.sync_copy(base_hbm, base_v)
  base = pl.multiple_of(base_v[...][0], 256)
  pltpu.sync_copy(uidx_hbm.at[pl.ds(base + out_base, rows_per_w)], uidx_v)
  pltpu.sync_copy(iidx_hbm.at[pl.ds(base + out_base, rows_per_w)], iidx_v)
  pltpu.sync_copy(wo_hbm, wo_v)
  w_regs = [wo_v[0, pl.ds(16 * j, 16)] for j in range(_D // 16)]

  def uidx(c):
    return uidx_v.at[pl.ds(c * _CHUNK, _CHUNK)]

  def iidx(c):
    return iidx_v.at[pl.ds(c * _CHUNK, _CHUNK)]

  mf_u, mf_i = (mf_u0, mf_u1), (mf_i0, mf_i1)
  ml_u, ml_i = (ml_u0, ml_u1), (ml_i0, ml_i1)
  smf_u, smf_i = (s_mfu0, s_mfu1), (s_mfi0, s_mfi1)
  sml_u, sml_i = (s_mlu0, s_mlu1), (s_mli0, s_mli1)
  swb_u, swb_i = (s_wbu0, s_wbu1), (s_wbi0, s_wbi1)

  def off(c):
    return pl.multiple_of(c * _CHUNK, _CHUNK)

  def uidx_d(c):
    return uidx_v.at[pl.ds(off(c), _CHUNK)]

  def iidx_d(c):
    return iidx_v.at[pl.ds(off(c), _CHUNK)]

  def start(c, p):
    pltpu.async_copy(t_umf.at[uidx_d(c)], mf_u[p], smf_u[p])
    pltpu.async_copy(t_imf.at[iidx_d(c)], mf_i[p], smf_i[p])
    pltpu.async_copy(t_umlp.at[uidx_d(c)], ml_u[p], sml_u[p])
    pltpu.async_copy(t_imlp.at[iidx_d(c)], ml_i[p], sml_i[p])

  def wait_wb(c, p):
    pltpu.make_async_copy(
        ml_u[p], o_umlp.at[pl.ds(out_base + off(c), _CHUNK)], swb_u[p]).wait()
    pltpu.make_async_copy(
        ml_i[p], o_imlp.at[pl.ds(out_base + off(c), _CHUNK)], swb_i[p]).wait()

  def step(c, p, first, last):
    pltpu.make_async_copy(t_umlp.at[uidx_d(c)], ml_u[p], sml_u[p]).wait()
    pltpu.make_async_copy(t_imlp.at[iidx_d(c)], ml_i[p], sml_i[p]).wait()
    pltpu.async_copy(
        ml_u[p], o_umlp.at[pl.ds(out_base + off(c), _CHUNK)], swb_u[p])
    pltpu.async_copy(
        ml_i[p], o_imlp.at[pl.ds(out_base + off(c), _CHUNK)], swb_i[p])

    pltpu.make_async_copy(t_umf.at[uidx_d(c)], mf_u[p], smf_u[p]).wait()
    pltpu.make_async_copy(t_imf.at[iidx_d(c)], mf_i[p], smf_i[p]).wait()
    ub, ib = mf_u[p], mf_i[p]

    def row_body(rr, _):
      for u in range(2):
        r = rr * 2 + u
        acc = ub[r, pl.ds(0, 16)] * ib[r, pl.ds(0, 16)] * w_regs[0]
        for j in range(1, _D // 16):
          acc += (ub[r, pl.ds(16 * j, 16)] * ib[r, pl.ds(16 * j, 16)]
                  * w_regs[j])
        sdot_v[off(c) + r, :] = acc
      return 0

    lax.fori_loop(0, _CHUNK // 2, row_body, 0)

    if not last:
      wait_wb(c, p)
      start(c + 2, p)

  start(0, 0)
  start(1, 1)
  n_pairs = n_chunks // 2

  def pair_body(t, _):
    c0 = t * 2

    @pl.when(t < n_pairs - 1)
    def _():
      step(c0, 0, t == 0, False)
      step(c0 + 1, 1, False, False)

    @pl.when(t == n_pairs - 1)
    def _():
      step(c0, 0, False, True)
      step(c0 + 1, 1, False, True)

    return 0

  lax.fori_loop(0, n_pairs, pair_body, 0)

  wait_wb(n_chunks - 2, 0)
  wait_wb(n_chunks - 1, 1)

  pltpu.sync_copy(sdot_v, o_s.at[pl.ds(out_base, rows_per_w)])


@functools.lru_cache(maxsize=None)
def _sc_gather_kernel(batch):
  rows_per_w = batch // _NW
  mesh = plsc.VectorSubcoreMesh(core_axis_name="c", subcore_axis_name="s",
                                num_cores=_NC, num_subcores=_NS)
  out = jax.ShapeDtypeStruct((batch, _D), jnp.float32)
  out_s = jax.ShapeDtypeStruct((batch, 16), jnp.float32)
  buf = pltpu.VMEM((_CHUNK, _D), jnp.float32)
  k = pl.kernel(
      functools.partial(_sc_gather_body, batch=batch),
      out_type=(out, out, out_s),
      mesh=mesh,
      scratch_types=[
          pltpu.VMEM((16,), jnp.int32),
          pltpu.VMEM((rows_per_w,), jnp.int32),
          pltpu.VMEM((rows_per_w,), jnp.int32),
          pltpu.VMEM((1, _D + 32), jnp.float32),
          pltpu.VMEM((rows_per_w, 16), jnp.float32),
      ] + [buf] * 8 + [pltpu.SemaphoreType.DMA] * 12,
  )
  return k


def _sc_gather(base, uidx, iidx, t_umf, t_imf, t_umlp, t_imlp, Wo, batch):
  return _sc_gather_kernel(batch)(base, uidx, iidx, t_umf, t_imf, t_umlp,
                                  t_imlp, Wo)


_BLK = 2048


def _tc_mlp_body(umlp, imlp, s, w1, b1, w2, b2, w3, b3, wo, bo, out):
  cT = (((1,), (1,)), ((), ()))
  cN = (((1,), (0,)), ((), ()))
  h = lax.dot_general(w1[:, :_D], umlp[...], cT,
                      preferred_element_type=jnp.float32)
  h += lax.dot_general(w1[:, _D:], imlp[...], cT,
                       preferred_element_type=jnp.float32)
  h = jnp.maximum(h + b1[...][:, None], 0.0)
  h = jnp.maximum(
      lax.dot_general(w2[...], h, cN, preferred_element_type=jnp.float32)
      + b2[...][:, None], 0.0)
  h = jnp.maximum(
      lax.dot_general(w3[...], h, cN, preferred_element_type=jnp.float32)
      + b3[...][:, None], 0.0)
  logit = lax.dot_general(wo[:, _D:], h, cN,
                          preferred_element_type=jnp.float32)
  ones16 = jnp.ones((1, 16), dtype=jnp.float32)
  logit += lax.dot_general(ones16, s[...], cT,
                           preferred_element_type=jnp.float32)
  logit += bo[0]
  out[...] = (1.0 / (1.0 + jnp.exp(-logit)))[0, :]


def _tc_mlp(umlp, imlp, s, W1, b1, W2, b2, W3, b3, Wo, bo, batch):
  n_blk = batch // _BLK
  batch_spec = pl.BlockSpec((_BLK, _D), lambda i: (i, 0))
  s_spec = pl.BlockSpec((_BLK, 16), lambda i: (i, 0))
  full = lambda shape: pl.BlockSpec(shape, lambda i: tuple(0 for _ in shape))
  return pl.pallas_call(
      _tc_mlp_body,
      grid=(n_blk,),
      in_specs=[
          batch_spec, batch_spec, s_spec,
          full((_D, 2 * _D)), full((_D,)),
          full((64, _D)), full((64,)),
          full((32, 64)), full((32,)),
          full((1, _D + 32)), full((1,)),
      ],
      out_specs=pl.BlockSpec((_BLK,), lambda i: (i,)),
      out_shape=jax.ShapeDtypeStruct((batch,), jnp.float32),
  )(umlp, imlp, s, W1, b1, W2, b2, W3, b3, Wo, bo)


_N_SPLIT = 1


@jax.jit
def kernel(user_indices, item_indices, user_emb_mf, item_emb_mf,
           user_emb_mlp, item_emb_mlp, W1, b1, W2, b2, W3, b3, Wo, bo):
  half = _BATCH // _N_SPLIT
  outs = []
  for h in range(_N_SPLIT):
    base = jnp.full((16,), h * half, dtype=jnp.int32)
    umlp, imlp, s = _sc_gather(base, user_indices, item_indices, user_emb_mf,
                               item_emb_mf, user_emb_mlp, item_emb_mlp, Wo,
                               half)
    outs.append(_tc_mlp(umlp, imlp, s, W1, b1, W2, b2, W3, b3, Wo, bo, half))
  return jnp.concatenate(outs)

# --- scband reference (transcript-rebuilt; emitter-appended) ---
"""Pipeline reference for scband-ncf-8022998909187 (READ-ONLY COPY).

The authoritative reference and input builder live on the scoring server;
editing this copy changes nothing except your own understanding.
"""

import jax, jax.numpy as jnp
import numpy as np

USER_NUM = 1000000
ITEM_NUM = 1000000
EMBED_DIM = 128
BATCH = 16384


def setup_inputs(seed: int = 0) -> dict:
    key = jax.random.key(seed)
    ks = jax.random.split(key, 16)
    user_indices = jax.random.randint(ks[0], (BATCH,), 0, USER_NUM, dtype=jnp.int64 if jax.config.jax_enable_x64 else jnp.int32).astype(jnp.int32)
    item_indices = jax.random.randint(ks[1], (BATCH,), 0, ITEM_NUM, dtype=jnp.int64 if jax.config.jax_enable_x64 else jnp.int32).astype(jnp.int32)
    user_emb_mf = jax.random.normal(ks[2], (USER_NUM, EMBED_DIM), dtype=jnp.float32) * 0.02
    item_emb_mf = jax.random.normal(ks[3], (ITEM_NUM, EMBED_DIM), dtype=jnp.float32) * 0.02
    user_emb_mlp = jax.random.normal(ks[4], (USER_NUM, EMBED_DIM), dtype=jnp.float32) * 0.02
    item_emb_mlp = jax.random.normal(ks[5], (ITEM_NUM, EMBED_DIM), dtype=jnp.float32) * 0.02
    W1 = jax.random.normal(ks[6], (128, EMBED_DIM * 2), dtype=jnp.float32) * 0.05
    b1 = jnp.zeros((128,), dtype=jnp.float32)
    W2 = jax.random.normal(ks[7], (64, 128), dtype=jnp.float32) * 0.05
    b2 = jnp.zeros((64,), dtype=jnp.float32)
    W3 = jax.random.normal(ks[8], (32, 64), dtype=jnp.float32) * 0.05
    b3 = jnp.zeros((32,), dtype=jnp.float32)
    Wo = jax.random.normal(ks[9], (1, EMBED_DIM + 32), dtype=jnp.float32) * 0.05
    bo = jnp.zeros((1,), dtype=jnp.float32)
    return {
        "user_indices": user_indices,
        "item_indices": item_indices,
        "user_emb_mf": user_emb_mf,
        "item_emb_mf": item_emb_mf,
        "user_emb_mlp": user_emb_mlp,
        "item_emb_mlp": item_emb_mlp,
        "W1": W1, "b1": b1,
        "W2": W2, "b2": b2,
        "W3": W3, "b3": b3,
        "Wo": Wo, "bo": bo,
    }


def reference(user_indices, item_indices, user_emb_mf, item_emb_mf,
              user_emb_mlp, item_emb_mlp, W1, b1, W2, b2, W3, b3, Wo, bo):
    # MF branch: elementwise product of embeddings
    u_mf = jnp.take(user_emb_mf, user_indices, axis=0)
    i_mf = jnp.take(item_emb_mf, item_indices, axis=0)
    mf_vector = u_mf * i_mf
    # MLP branch
    u_mlp = jnp.take(user_emb_mlp, user_indices, axis=0)
    i_mlp = jnp.take(item_emb_mlp, item_indices, axis=0)
    mlp_vector = jnp.concatenate([u_mlp, i_mlp], axis=-1)
    # Dropout is identity at inference time
    mlp_vector = jax.nn.relu(mlp_vector @ W1.T + b1)
    mlp_vector = jax.nn.relu(mlp_vector @ W2.T + b2)
    mlp_vector = jax.nn.relu(mlp_vector @ W3.T + b3)
    final_vector = jnp.concatenate([mf_vector, mlp_vector], axis=-1)
    logits = final_vector @ Wo.T + bo
    output = jax.nn.sigmoid(logits).squeeze()
    return output

if __name__ == "__main__":
    import jax
    _d = setup_inputs()
    print(jax.jit(kernel)(*tuple(_d.values())))

</pallas_src>

<mosaic_0001>
#map = affine_map<(d0, d1) -> (0)>
#map1 = affine_map<(d0, d1) -> (0, 0)>
module attributes {stable_mosaic.version = 14 : i64} {
  func.func @_sc_gather_body(%arg0: i32, %arg1: i32, %arg2: memref<16xi32, #tpu.memory_space<hbm>>, %arg3: memref<16384xi32, #tpu.memory_space<hbm>>, %arg4: memref<16384xi32, #tpu.memory_space<hbm>>, %arg5: memref<1000000x128xf32, #tpu.memory_space<hbm>>, %arg6: memref<1000000x128xf32, #tpu.memory_space<hbm>>, %arg7: memref<1000000x128xf32, #tpu.memory_space<hbm>>, %arg8: memref<1000000x128xf32, #tpu.memory_space<hbm>>, %arg9: memref<1x160xf32, #tpu.memory_space<hbm>>, %arg10: memref<16384x128xf32, #tpu.memory_space<hbm>>, %arg11: memref<16384x128xf32, #tpu.memory_space<hbm>>, %arg12: memref<16384x16xf32, #tpu.memory_space<hbm>>, %arg13: memref<16xi32, #tpu.memory_space<vmem>>, %arg14: memref<512xi32, #tpu.memory_space<vmem>>, %arg15: memref<512xi32, #tpu.memory_space<vmem>>, %arg16: memref<1x160xf32, #tpu.memory_space<vmem>>, %arg17: memref<512x16xf32, #tpu.memory_space<vmem>>, %arg18: memref<32x128xf32, #tpu.memory_space<vmem>>, %arg19: memref<32x128xf32, #tpu.memory_space<vmem>>, %arg20: memref<32x128xf32, #tpu.memory_space<vmem>>, %arg21: memref<32x128xf32, #tpu.memory_space<vmem>>, %arg22: memref<32x128xf32, #tpu.memory_space<vmem>>, %arg23: memref<32x128xf32, #tpu.memory_space<vmem>>, %arg24: memref<32x128xf32, #tpu.memory_space<vmem>>, %arg25: memref<32x128xf32, #tpu.memory_space<vmem>>, %arg26: memref<!tpu.dma_semaphore, #tpu.memory_space<semaphore_mem>>, %arg27: memref<!tpu.dma_semaphore, #tpu.memory_space<semaphore_mem>>, %arg28: memref<!tpu.dma_semaphore, #tpu.memory_space<semaphore_mem>>, %arg29: memref<!tpu.dma_semaphore, #tpu.memory_space<semaphore_mem>>, %arg30: memref<!tpu.dma_semaphore, #tpu.memory_space<semaphore_mem>>, %arg31: memref<!tpu.dma_semaphore, #tpu.memory_space<semaphore_mem>>, %arg32: memref<!tpu.dma_semaphore, #tpu.memory_space<semaphore_mem>>, %arg33: memref<!tpu.dma_semaphore, #tpu.memory_space<semaphore_mem>>, %arg34: memref<!tpu.dma_semaphore, #tpu.memory_space<semaphore_mem>>, %arg35: memref<!tpu.dma_semaphore, #tpu.memory_space<semaphore_mem>>, %arg36: memref<!tpu.dma_semaphore, #tpu.memory_space<semaphore_mem>>, %arg37: memref<!tpu.dma_semaphore, #tpu.memory_space<semaphore_mem>>) attributes {dimension_semantics = [#tpu.dimension_semantics<core_parallel>, #tpu.dimension_semantics<subcore_parallel>], iteration_bounds = array<i64: 2, 16>, scalar_prefetch = 0 : i64, scratch_operands = 25 : i64, tpu.core_type = #tpu.core_type<sc_vector_subcore>, window_params = [{transform_indices = #map}, {transform_indices = #map}, {transform_indices = #map}, {transform_indices = #map1}, {transform_indices = #map1}, {transform_indices = #map1}, {transform_indices = #map1}, {transform_indices = #map1}, {transform_indices = #map1}, {transform_indices = #map1}, {transform_indices = #map1}]} {
    %mul3A = arith.constant 2 : i32
    %mul3A_0 = arith.muli %arg1, %mul3A : i32
    %add3A = arith.addi %mul3A_0, %arg0 : i32
    %mul3A_1 = arith.constant 512 : i32
    %mul3A_2 = arith.muli %add3A, %mul3A_1 : i32
    "tpu.region"() ({
      %run_scoped3A = tpu.sem_alloc : memref<!tpu.dma_semaphore, #tpu.memory_space<semaphore_mem>>
      tpu.enqueue_dma source(%arg2 : memref<16xi32, #tpu.memory_space<hbm>>) target(%arg13 : memref<16xi32, #tpu.memory_space<vmem>>) target_semaphore(%run_scoped3A : memref<!tpu.dma_semaphore, #tpu.memory_space<semaphore_mem>>)
      tpu.wait_dma2 semaphore(%run_scoped3A : memref<!tpu.dma_semaphore, #tpu.memory_space<semaphore_mem>>) src(%arg2 : memref<16xi32, #tpu.memory_space<hbm>>) dst(%arg13 : memref<16xi32, #tpu.memory_space<vmem>>)
      tpu.yield
    }) : () -> ()
    %get3A = arith.constant 0 : index
    %get3A_3 = tpu.vector_load %arg13[%get3A] {strides = array<i32>} : memref<16xi32, #tpu.memory_space<vmem>>, vector<16xi32>,
    %get3A_4 = vector.shape_cast %get3A_3 : vector<16xi32> to vector<16xi32>
    %slice3A = vector.extract_strided_slice %get3A_4 {offsets = [0], sizes = [1], strides = [1]} : vector<16xi32> to vector<1xi32>
    %squeeze3A = vector.extract %slice3A[0] : i32 from vector<1xi32>
    %multiple_of3A = tpu.assume_multiple %squeeze3A, 256 : i32
    %add3A_5 = arith.addi %multiple_of3A, %mul3A_2 : i32
    "tpu.region"() ({
      %run_scoped3A = tpu.sem_alloc : memref<!tpu.dma_semaphore, #tpu.memory_space<semaphore_mem>>
      %dma_start3A_127 = tpu.memref_slice %arg3[%add3A_5] : memref<16384xi32, #tpu.memory_space<hbm>> -> memref<512xi32, #tpu.memory_space<hbm>>
      %dma_start3A_128 = tpu.memref_slice %arg3[%add3A_5] : memref<16384xi32, #tpu.memory_space<hbm>> -> memref<512xi32, #tpu.memory_space<hbm>>
      tpu.enqueue_dma source(%dma_start3A_128 : memref<512xi32, #tpu.memory_space<hbm>>) target(%arg14 : memref<512xi32, #tpu.memory_space<vmem>>) target_semaphore(%run_scoped3A : memref<!tpu.dma_semaphore, #tpu.memory_space<semaphore_mem>>)
      %dma_wait3A_129 = tpu.memref_slice %arg3[%add3A_5] : memref<16384xi32, #tpu.memory_space<hbm>> -> memref<512xi32, #tpu.memory_space<hbm>>
      %dma_wait3A_130 = tpu.memref_slice %arg3[%add3A_5] : memref<16384xi32, #tpu.memory_space<hbm>> -> memref<512xi32, #tpu.memory_space<hbm>>
      tpu.wait_dma2 semaphore(%run_scoped3A : memref<!tpu.dma_semaphore, #tpu.memory_space<semaphore_mem>>) src(%dma_wait3A_130 : memref<512xi32, #tpu.memory_space<hbm>>) dst(%arg14 : memref<512xi32, #tpu.memory_space<vmem>>)
      tpu.yield
    }) : () -> ()
    %add3A_6 = arith.addi %multiple_of3A, %mul3A_2 : i32
    "tpu.region"() ({
      %run_scoped3A = tpu.sem_alloc : memref<!tpu.dma_semaphore, #tpu.memory_space<semaphore_mem>>
      %dma_start3A_127 = tpu.memref_slice %arg4[%add3A_6] : memref<16384xi32, #tpu.memory_space<hbm>> -> memref<512xi32, #tpu.memory_space<hbm>>
      %dma_start3A_128 = tpu.memref_slice %arg4[%add3A_6] : memref<16384xi32, #tpu.memory_space<hbm>> -> memref<512xi32, #tpu.memory_space<hbm>>
      tpu.enqueue_dma source(%dma_start3A_128 : memref<512xi32, #tpu.memory_space<hbm>>) target(%arg15 : memref<512xi32, #tpu.memory_space<vmem>>) target_semaphore(%run_scoped3A : memref<!tpu.dma_semaphore, #tpu.memory_space<semaphore_mem>>)
      %dma_wait3A_129 = tpu.memref_slice %arg4[%add3A_6] : memref<16384xi32, #tpu.memory_space<hbm>> -> memref<512xi32, #tpu.memory_space<hbm>>
      %dma_wait3A_130 = tpu.memref_slice %arg4[%add3A_6] : memref<16384xi32, #tpu.memory_space<hbm>> -> memref<512xi32, #tpu.memory_space<hbm>>
      tpu.wait_dma2 semaphore(%run_scoped3A : memref<!tpu.dma_semaphore, #tpu.memory_space<semaphore_mem>>) src(%dma_wait3A_130 : memref<512xi32, #tpu.memory_space<hbm>>) dst(%arg15 : memref<512xi32, #tpu.memory_space<vmem>>)
      tpu.yield
    }) : () -> ()
    "tpu.region"() ({
      %run_scoped3A = tpu.sem_alloc : memref<!tpu.dma_semaphore, #tpu.memory_space<semaphore_mem>>
      tpu.enqueue_dma source(%arg9 : memref<1x160xf32, #tpu.memory_space<hbm>>) target(%arg16 : memref<1x160xf32, #tpu.memory_space<vmem>>) target_semaphore(%run_scoped3A : memref<!tpu.dma_semaphore, #tpu.memory_space<semaphore_mem>>)
      tpu.wait_dma2 semaphore(%run_scoped3A : memref<!tpu.dma_semaphore, #tpu.memory_space<semaphore_mem>>) src(%arg9 : memref<1x160xf32, #tpu.memory_space<hbm>>) dst(%arg16 : memref<1x160xf32, #tpu.memory_space<vmem>>)
      tpu.yield
    }) : () -> ()
    %get3A_7 = arith.constant 0 : i32
    %get3A_8 = arith.index_cast %get3A_7 : i32 to index
    %get3A_9 = arith.constant 0 : index
    %get3A_10 = tpu.vector_load %arg16[%get3A_8, %get3A_9] {strides = array<i32>} : memref<1x160xf32, #tpu.memory_space<vmem>>, vector<1x16xf32>,
    %get3A_11 = vector.shape_cast %get3A_10 : vector<1x16xf32> to vector<16xf32>
    %get3A_12 = arith.constant 0 : i32
    %get3A_13 = arith.index_cast %get3A_12 : i32 to index
    %get3A_14 = arith.constant 16 : index
    %get3A_15 = tpu.vector_load %arg16[%get3A_13, %get3A_14] {strides = array<i32>} : memref<1x160xf32, #tpu.memory_space<vmem>>, vector<1x16xf32>,
    %get3A_16 = vector.shape_cast %get3A_15 : vector<1x16xf32> to vector<16xf32>
    %get3A_17 = arith.constant 0 : i32
    %get3A_18 = arith.index_cast %get3A_17 : i32 to index
    %get3A_19 = arith.constant 32 : index
    %get3A_20 = tpu.vector_load %arg16[%get3A_18, %get3A_19] {strides = array<i32>} : memref<1x160xf32, #tpu.memory_space<vmem>>, vector<1x16xf32>,
    %get3A_21 = vector.shape_cast %get3A_20 : vector<1x16xf32> to vector<16xf32>
    %get3A_22 = arith.constant 0 : i32
    %get3A_23 = arith.index_cast %get3A_22 : i32 to index
    %get3A_24 = arith.constant 48 : index
    %get3A_25 = tpu.vector_load %arg16[%get3A_23, %get3A_24] {strides = array<i32>} : memref<1x160xf32, #tpu.memory_space<vmem>>, vector<1x16xf32>,
    %get3A_26 = vector.shape_cast %get3A_25 : vector<1x16xf32> to vector<16xf32>
    %get3A_27 = arith.constant 0 : i32
    %get3A_28 = arith.index_cast %get3A_27 : i32 to index
    %get3A_29 = arith.constant 64 : index
    %get3A_30 = tpu.vector_load %arg16[%get3A_28, %get3A_29] {strides = array<i32>} : memref<1x160xf32, #tpu.memory_space<vmem>>, vector<1x16xf32>,
    %get3A_31 = vector.shape_cast %get3A_30 : vector<1x16xf32> to vector<16xf32>
    %get3A_32 = arith.constant 0 : i32
    %get3A_33 = arith.index_cast %get3A_32 : i32 to index
    %get3A_34 = arith.constant 80 : index
    %get3A_35 = tpu.vector_load %arg16[%get3A_33, %get3A_34] {strides = array<i32>} : memref<1x160xf32, #tpu.memory_space<vmem>>, vector<1x16xf32>,
    %get3A_36 = vector.shape_cast %get3A_35 : vector<1x16xf32> to vector<16xf32>
    %get3A_37 = arith.constant 0 : i32
    %get3A_38 = arith.index_cast %get3A_37 : i32 to index
    %get3A_39 = arith.constant 96 : index
    %get3A_40 = tpu.vector_load %arg16[%get3A_38, %get3A_39] {strides = array<i32>} : memref<1x160xf32, #tpu.memory_space<vmem>>, vector<1x16xf32>,
    %get3A_41 = vector.shape_cast %get3A_40 : vector<1x16xf32> to vector<16xf32>
    %get3A_42 = arith.constant 0 : i32
    %get3A_43 = arith.index_cast %get3A_42 : i32 to index
    %get3A_44 = arith.constant 112 : index
    %get3A_45 = tpu.vector_load %arg16[%get3A_43, %get3A_44] {strides = array<i32>} : memref<1x160xf32, #tpu.memory_space<vmem>>, vector<1x16xf32>,
    %get3A_46 = vector.shape_cast %get3A_45 : vector<1x16xf32> to vector<16xf32>
    %multiple_of3A_47 = arith.constant 0 : i32
    %multiple_of3A_48 = tpu.assume_multiple %multiple_of3A_47, 32 : i32
    %dma_start3A = tpu.memref_slice %arg14[%multiple_of3A_48] : memref<512xi32, #tpu.memory_space<vmem>> -> memref<32xi32, #tpu.memory_space<vmem>>
    %dma_start3A_49 = arith.constant 0 : i32
    %dma_start3A_50 = arith.constant 0 : i32
    %dma_start3A_51 = tpu.memref_slice %arg5[%dma_start3A_49, %dma_start3A_50] : memref<1000000x128xf32, #tpu.memory_space<hbm>> -> memref<1000000x128xf32, #tpu.memory_space<hbm>>
    tpu.enqueue_indirect_dma source(%dma_start3A_51 : memref<1000000x128xf32, #tpu.memory_space<hbm>>) target(%arg18 : memref<32x128xf32, #tpu.memory_space<vmem>>) offsets(%dma_start3A : memref<32xi32, #tpu.memory_space<vmem>>) semaphore(%arg26 : memref<!tpu.dma_semaphore, #tpu.memory_space<semaphore_mem>>)
    %multiple_of3A_52 = arith.constant 0 : i32
    %multiple_of3A_53 = tpu.assume_multiple %multiple_of3A_52, 32 : i32
    %dma_start3A_54 = tpu.memref_slice %arg15[%multiple_of3A_53] : memref<512xi32, #tpu.memory_space<vmem>> -> memref<32xi32, #tpu.memory_space<vmem>>
    %dma_start3A_55 = arith.constant 0 : i32
    %dma_start3A_56 = arith.constant 0 : i32
    %dma_start3A_57 = tpu.memref_slice %arg6[%dma_start3A_55, %dma_start3A_56] : memref<1000000x128xf32, #tpu.memory_space<hbm>> -> memref<1000000x128xf32, #tpu.memory_space<hbm>>
    tpu.enqueue_indirect_dma source(%dma_start3A_57 : memref<1000000x128xf32, #tpu.memory_space<hbm>>) target(%arg20 : memref<32x128xf32, #tpu.memory_space<vmem>>) offsets(%dma_start3A_54 : memref<32xi32, #tpu.memory_space<vmem>>) semaphore(%arg28 : memref<!tpu.dma_semaphore, #tpu.memory_space<semaphore_mem>>)
    %multiple_of3A_58 = arith.constant 0 : i32
    %multiple_of3A_59 = tpu.assume_multiple %multiple_of3A_58, 32 : i32
    %dma_start3A_60 = tpu.memref_slice %arg14[%multiple_of3A_59] : memref<512xi32, #tpu.memory_space<vmem>> -> memref<32xi32, #tpu.memory_space<vmem>>
    %dma_start3A_61 = arith.constant 0 : i32
    %dma_start3A_62 = arith.constant 0 : i32
    %dma_start3A_63 = tpu.memref_slice %arg7[%dma_start3A_61, %dma_start3A_62] : memref<1000000x128xf32, #tpu.memory_space<hbm>> -> memref<1000000x128xf32, #tpu.memory_space<hbm>>
    tpu.enqueue_indirect_dma source(%dma_start3A_63 : memref<1000000x128xf32, #tpu.memory_space<hbm>>) target(%arg22 : memref<32x128xf32, #tpu.memory_space<vmem>>) offsets(%dma_start3A_60 : memref<32xi32, #tpu.memory_space<vmem>>) semaphore(%arg30 : memref<!tpu.dma_semaphore, #tpu.memory_space<semaphore_mem>>)
    %multiple_of3A_64 = arith.constant 0 : i32
    %multiple_of3A_65 = tpu.assume_multiple %multiple_of3A_64, 32 : i32
    %dma_start3A_66 = tpu.memref_slice %arg15[%multiple_of3A_65] : memref<512xi32, #tpu.memory_space<vmem>> -> memref<32xi32, #tpu.memory_space<vmem>>
    %dma_start3A_67 = arith.constant 0 : i32
    %dma_start3A_68 = arith.constant 0 : i32
    %dma_start3A_69 = tpu.memref_slice %arg8[%dma_start3A_67, %dma_start3A_68] : memref<1000000x128xf32, #tpu.memory_space<hbm>> -> memref<1000000x128xf32, #tpu.memory_space<hbm>>
    tpu.enqueue_indirect_dma source(%dma_start3A_69 : memref<1000000x128xf32, #tpu.memory_space<hbm>>) target(%arg24 : memref<32x128xf32, #tpu.memory_space<vmem>>) offsets(%dma_start3A_66 : memref<32xi32, #tpu.memory_space<vmem>>) semaphore(%arg32 : memref<!tpu.dma_semaphore, #tpu.memory_space<semaphore_mem>>)
    %multiple_of3A_70 = arith.constant 32 : i32
    %multiple_of3A_71 = tpu.assume_multiple %multiple_of3A_70, 32 : i32
    %dma_start3A_72 = tpu.memref_slice %arg14[%multiple_of3A_71] : memref<512xi32, #tpu.memory_space<vmem>> -> memref<32xi32, #tpu.memory_space<vmem>>
    %dma_start3A_73 = arith.constant 0 : i32
    %dma_start3A_74 = arith.constant 0 : i32
    %dma_start3A_75 = tpu.memref_slice %arg5[%dma_start3A_73, %dma_start3A_74] : memref<1000000x128xf32, #tpu.memory_space<hbm>> -> memref<1000000x128xf32, #tpu.memory_space<hbm>>
    tpu.enqueue_indirect_dma source(%dma_start3A_75 : memref<1000000x128xf32, #tpu.memory_space<hbm>>) target(%arg19 : memref<32x128xf32, #tpu.memory_space<vmem>>) offsets(%dma_start3A_72 : memref<32xi32, #tpu.memory_space<vmem>>) semaphore(%arg27 : memref<!tpu.dma_semaphore, #tpu.memory_space<semaphore_mem>>)
    %multiple_of3A_76 = arith.constant 32 : i32
    %multiple_of3A_77 = tpu.assume_multiple %multiple_of3A_76, 32 : i32
    %dma_start3A_78 = tpu.memref_slice %arg15[%multiple_of3A_77] : memref<512xi32, #tpu.memory_space<vmem>> -> memref<32xi32, #tpu.memory_space<vmem>>
    %dma_start3A_79 = arith.constant 0 : i32
    %dma_start3A_80 = arith.constant 0 : i32
    %dma_start3A_81 = tpu.memref_slice %arg6[%dma_start3A_79, %dma_start3A_80] : memref<1000000x128xf32, #tpu.memory_space<hbm>> -> memref<1000000x128xf32, #tpu.memory_space<hbm>>
    tpu.enqueue_indirect_dma source(%dma_start3A_81 : memref<1000000x128xf32, #tpu.memory_space<hbm>>) target(%arg21 : memref<32x128xf32, #tpu.memory_space<vmem>>) offsets(%dma_start3A_78 : memref<32xi32, #tpu.memory_space<vmem>>) semaphore(%arg29 : memref<!tpu.dma_semaphore, #tpu.memory_space<semaphore_mem>>)
    %multiple_of3A_82 = arith.constant 32 : i32
    %multiple_of3A_83 = tpu.assume_multiple %multiple_of3A_82, 32 : i32
    %dma_start3A_84 = tpu.memref_slice %arg14[%multiple_of3A_83] : memref<512xi32, #tpu.memory_space<vmem>> -> memref<32xi32, #tpu.memory_space<vmem>>
    %dma_start3A_85 = arith.constant 0 : i32
    %dma_start3A_86 = arith.constant 0 : i32
    %dma_start3A_87 = tpu.memref_slice %arg7[%dma_start3A_85, %dma_start3A_86] : memref<1000000x128xf32, #tpu.memory_space<hbm>> -> memref<1000000x128xf32, #tpu.memory_space<hbm>>
    tpu.enqueue_indirect_dma source(%dma_start3A_87 : memref<1000000x128xf32, #tpu.memory_space<hbm>>) target(%arg23 : memref<32x128xf32, #tpu.memory_space<vmem>>) offsets(%dma_start3A_84 : memref<32xi32, #tpu.memory_space<vmem>>) semaphore(%arg31 : memref<!tpu.dma_semaphore, #tpu.memory_space<semaphore_mem>>)
    %multiple_of3A_88 = arith.constant 32 : i32
    %multiple_of3A_89 = tpu.assume_multiple %multiple_of3A_88, 32 : i32
    %dma_start3A_90 = tpu.memref_slice %arg15[%multiple_of3A_89] : memref<512xi32, #tpu.memory_space<vmem>> -> memref<32xi32, #tpu.memory_space<vmem>>
    %dma_start3A_91 = arith.constant 0 : i32
    %dma_start3A_92 = arith.constant 0 : i32
    %dma_start3A_93 = tpu.memref_slice %arg8[%dma_start3A_91, %dma_start3A_92] : memref<1000000x128xf32, #tpu.memory_space<hbm>> -> memref<1000000x128xf32, #tpu.memory_space<hbm>>
    tpu.enqueue_indirect_dma source(%dma_start3A_93 : memref<1000000x128xf32, #tpu.memory_space<hbm>>) target(%arg25 : memref<32x128xf32, #tpu.memory_space<vmem>>) offsets(%dma_start3A_90 : memref<32xi32, #tpu.memory_space<vmem>>) semaphore(%arg33 : memref<!tpu.dma_semaphore, #tpu.memory_space<semaphore_mem>>)
    %scan3A = arith.constant 0 : i32
    %scan3A_94 = arith.constant 0 : i32
    %scan3A_95 = arith.constant 8 : i32
    %scan3A_96 = arith.addi %scan3A_94, %scan3A_95 : i32
    %scan3A_97 = arith.constant 1 : i32
    %scan3A_98 = scf.for %scan3A_127 = %scan3A_94 to %scan3A_96 step %scan3A_97 iter_args(%scan3A_128 = %scan3A) -> (i32)  : i32 {
      %mul3A_129 = arith.constant 2 : i32
      %mul3A_130 = arith.muli %scan3A_127, %mul3A_129 : i32
      %lt3A = arith.constant 7 : i32
      %lt3A_131 = arith.cmpi slt, %scan3A_127, %lt3A : i32
      %convert_element_type3A = arith.extui %lt3A_131 : i1 to i32
      %cond3A = arith.constant 0 : i32
      %cond3A_132 = arith.cmpi ne, %convert_element_type3A, %cond3A : i32
      scf.if %cond3A_132 {
        %eq3A_138 = arith.constant 0 : i32
        %eq3A_139 = arith.cmpi eq, %scan3A_127, %eq3A_138 : i32
        %mul3A_140 = arith.constant 32 : i32
        %mul3A_141 = arith.muli %mul3A_130, %mul3A_140 : i32
        %multiple_of3A_142 = tpu.assume_multiple %mul3A_141, 32 : i32
        %dma_wait3A_143 = tpu.memref_slice %arg14[%multiple_of3A_142] : memref<512xi32, #tpu.memory_space<vmem>> -> memref<32xi32, #tpu.memory_space<vmem>>
        %dma_wait3A_144 = arith.constant 0 : i32
        %dma_wait3A_145 = arith.constant 0 : i32
        %dma_wait3A_146 = tpu.memref_slice %arg7[%dma_wait3A_144, %dma_wait3A_145] : memref<1000000x128xf32, #tpu.memory_space<hbm>> -> memref<1000000x128xf32, #tpu.memory_space<hbm>>
        tpu.wait_indirect_dma semaphore(%arg30 : memref<!tpu.dma_semaphore, #tpu.memory_space<semaphore_mem>>) src(%dma_wait3A_146 : memref<1000000x128xf32, #tpu.memory_space<hbm>>) dst(%arg22 : memref<32x128xf32, #tpu.memory_space<vmem>>)
        %mul3A_147 = arith.constant 32 : i32
        %mul3A_148 = arith.muli %mul3A_130, %mul3A_147 : i32
        %multiple_of3A_149 = tpu.assume_multiple %mul3A_148, 32 : i32
        %dma_wait3A_150 = tpu.memref_slice %arg15[%multiple_of3A_149] : memref<512xi32, #tpu.memory_space<vmem>> -> memref<32xi32, #tpu.memory_space<vmem>>
        %dma_wait3A_151 = arith.constant 0 : i32
        %dma_wait3A_152 = arith.constant 0 : i32
        %dma_wait3A_153 = tpu.memref_slice %arg8[%dma_wait3A_151, %dma_wait3A_152] : memref<1000000x128xf32, #tpu.memory_space<hbm>> -> memref<1000000x128xf32, #tpu.memory_space<hbm>>
        tpu.wait_indirect_dma semaphore(%arg32 : memref<!tpu.dma_semaphore, #tpu.memory_space<semaphore_mem>>) src(%dma_wait3A_153 : memref<1000000x128xf32, #tpu.memory_space<hbm>>) dst(%arg24 : memref<32x128xf32, #tpu.memory_space<vmem>>)
        %mul3A_154 = arith.constant 32 : i32
        %mul3A_155 = arith.muli %mul3A_130, %mul3A_154 : i32
        %multiple_of3A_156 = tpu.assume_multiple %mul3A_155, 32 : i32
        %add3A_157 = arith.addi %mul3A_2, %multiple_of3A_156 : i32
        %dma_start3A_158 = arith.constant 0 : i32
        %dma_start3A_159 = tpu.memref_slice %arg10[%add3A_157, %dma_start3A_158] : memref<16384x128xf32, #tpu.memory_space<hbm>> -> memref<32x128xf32, #tpu.memory_space<hbm>>
        %dma_start3A_160 = arith.constant 0 : i32
        %dma_start3A_161 = tpu.memref_slice %arg10[%add3A_157, %dma_start3A_160] : memref<16384x128xf32, #tpu.memory_space<hbm>> -> memref<32x128xf32, #tpu.memory_space<hbm>>
        tpu.enqueue_dma source(%arg22 : memref<32x128xf32, #tpu.memory_space<vmem>>) target(%dma_start3A_161 : memref<32x128xf32, #tpu.memory_space<hbm>>) target_semaphore(%arg34 : memref<!tpu.dma_semaphore, #tpu.memory_space<semaphore_mem>>)
        %mul3A_162 = arith.constant 32 : i32
        %mul3A_163 = arith.muli %mul3A_130, %mul3A_162 : i32
        %multiple_of3A_164 = tpu.assume_multiple %mul3A_163, 32 : i32
        %add3A_165 = arith.addi %mul3A_2, %multiple_of3A_164 : i32
        %dma_start3A_166 = arith.constant 0 : i32
        %dma_start3A_167 = tpu.memref_slice %arg11[%add3A_165, %dma_start3A_166] : memref<16384x128xf32, #tpu.memory_space<hbm>> -> memref<32x128xf32, #tpu.memory_space<hbm>>
        %dma_start3A_168 = arith.constant 0 : i32
        %dma_start3A_169 = tpu.memref_slice %arg11[%add3A_165, %dma_start3A_168] : memref<16384x128xf32, #tpu.memory_space<hbm>> -> memref<32x128xf32, #tpu.memory_space<hbm>>
        tpu.enqueue_dma source(%arg24 : memref<32x128xf32, #tpu.memory_space<vmem>>) target(%dma_start3A_169 : memref<32x128xf32, #tpu.memory_space<hbm>>) target_semaphore(%arg36 : memref<!tpu.dma_semaphore, #tpu.memory_space<semaphore_mem>>)
        %mul3A_170 = arith.constant 32 : i32
        %mul3A_171 = arith.muli %mul3A_130, %mul3A_170 : i32
        %multiple_of3A_172 = tpu.assume_multiple %mul3A_171, 32 : i32
        %dma_wait3A_173 = tpu.memref_slice %arg14[%multiple_of3A_172] : memref<512xi32, #tpu.memory_space<vmem>> -> memref<32xi32, #tpu.memory_space<vmem>>
        %dma_wait3A_174 = arith.constant 0 : i32
        %dma_wait3A_175 = arith.constant 0 : i32
        %dma_wait3A_176 = tpu.memref_slice %arg5[%dma_wait3A_174, %dma_wait3A_175] : memref<1000000x128xf32, #tpu.memory_space<hbm>> -> memref<1000000x128xf32, #tpu.memory_space<hbm>>
        tpu.wait_indirect_dma semaphore(%arg26 : memref<!tpu.dma_semaphore, #tpu.memory_space<semaphore_mem>>) src(%dma_wait3A_176 : memref<1000000x128xf32, #tpu.memory_space<hbm>>) dst(%arg18 : memref<32x128xf32, #tpu.memory_space<vmem>>)
        %mul3A_177 = arith.constant 32 : i32
        %mul3A_178 = arith.muli %mul3A_130, %mul3A_177 : i32
        %multiple_of3A_179 = tpu.assume_multiple %mul3A_178, 32 : i32
        %dma_wait3A_180 = tpu.memref_slice %arg15[%multiple_of3A_179] : memref<512xi32, #tpu.memory_space<vmem>> -> memref<32xi32, #tpu.memory_space<vmem>>
        %dma_wait3A_181 = arith.constant 0 : i32
        %dma_wait3A_182 = arith.constant 0 : i32
        %dma_wait3A_183 = tpu.memref_slice %arg6[%dma_wait3A_181, %dma_wait3A_182] : memref<1000000x128xf32, #tpu.memory_space<hbm>> -> memref<1000000x128xf32, #tpu.memory_space<hbm>>
        tpu.wait_indirect_dma semaphore(%arg28 : memref<!tpu.dma_semaphore, #tpu.memory_space<semaphore_mem>>) src(%dma_wait3A_183 : memref<1000000x128xf32, #tpu.memory_space<hbm>>) dst(%arg20 : memref<32x128xf32, #tpu.memory_space<vmem>>)
        %scan3A_184 = arith.constant 0 : i32
        %scan3A_185 = arith.constant 0 : i32
        %scan3A_186 = arith.constant 16 : i32
        %scan3A_187 = arith.addi %scan3A_185, %scan3A_186 : i32
        %scan3A_188 = arith.constant 1 : i32
        %scan3A_189 = scf.for %scan3A_336 = %scan3A_185 to %scan3A_187 step %scan3A_188 iter_args(%scan3A_337 = %scan3A_184) -> (i32)  : i32 {
          %mul3A_338 = arith.constant 2 : i32
          %mul3A_339 = arith.muli %scan3A_336, %mul3A_338 : i32
          %add3A_340 = arith.constant 0 : i32
          %add3A_341 = arith.addi %mul3A_339, %add3A_340 : i32
          %get3A_342 = arith.index_cast %add3A_341 : i32 to index
          %get3A_343 = arith.constant 0 : index
          %get3A_344 = tpu.vector_load %arg18[%get3A_342, %get3A_343] {strides = array<i32>} : memref<32x128xf32, #tpu.memory_space<vmem>>, vector<1x16xf32>,
          %get3A_345 = vector.shape_cast %get3A_344 : vector<1x16xf32> to vector<16xf32>
          %get3A_346 = arith.index_cast %add3A_341 : i32 to index
          %get3A_347 = arith.constant 0 : index
          %get3A_348 = tpu.vector_load %arg20[%get3A_346, %get3A_347] {strides = array<i32>} : memref<32x128xf32, #tpu.memory_space<vmem>>, vector<1x16xf32>,
          %get3A_349 = vector.shape_cast %get3A_348 : vector<1x16xf32> to vector<16xf32>
          %mul3A_350 = arith.mulf %get3A_345, %get3A_349 : vector<16xf32>
          %mul3A_351 = arith.mulf %mul3A_350, %get3A_11 : vector<16xf32>
          %get3A_352 = arith.index_cast %add3A_341 : i32 to index
          %get3A_353 = arith.constant 16 : index
          %get3A_354 = tpu.vector_load %arg18[%get3A_352, %get3A_353] {strides = array<i32>} : memref<32x128xf32, #tpu.memory_space<vmem>>, vector<1x16xf32>,
          %get3A_355 = vector.shape_cast %get3A_354 : vector<1x16xf32> to vector<16xf32>
          %get3A_356 = arith.index_cast %add3A_341 : i32 to index
          %get3A_357 = arith.constant 16 : index
          %get3A_358 = tpu.vector_load %arg20[%get3A_356, %get3A_357] {strides = array<i32>} : memref<32x128xf32, #tpu.memory_space<vmem>>, vector<1x16xf32>,
          %get3A_359 = vector.shape_cast %get3A_358 : vector<1x16xf32> to vector<16xf32>
          %mul3A_360 = arith.mulf %get3A_355, %get3A_359 : vector<16xf32>
          %mul3A_361 = arith.mulf %mul3A_360, %get3A_16 : vector<16xf32>
          %add3A_362 = arith.addf %mul3A_351, %mul3A_361 : vector<16xf32>
          %get3A_363 = arith.index_cast %add3A_341 : i32 to index
          %get3A_364 = arith.constant 32 : index
          %get3A_365 = tpu.vector_load %arg18[%get3A_363, %get3A_364] {strides = array<i32>} : memref<32x128xf32, #tpu.memory_space<vmem>>, vector<1x16xf32>,
          %get3A_366 = vector.shape_cast %get3A_365 : vector<1x16xf32> to vector<16xf32>
          %get3A_367 = arith.index_cast %add3A_341 : i32 to index
          %get3A_368 = arith.constant 32 : index
          %get3A_369 = tpu.vector_load %arg20[%get3A_367, %get3A_368] {strides = array<i32>} : memref<32x128xf32, #tpu.memory_space<vmem>>, vector<1x16xf32>,
          %get3A_370 = vector.shape_cast %get3A_369 : vector<1x16xf32> to vector<16xf32>
          %mul3A_371 = arith.mulf %get3A_366, %get3A_370 : vector<16xf32>
          %mul3A_372 = arith.mulf %mul3A_371, %get3A_21 : vector<16xf32>
          %add3A_373 = arith.addf %add3A_362, %mul3A_372 : vector<16xf32>
          %get3A_374 = arith.index_cast %add3A_341 : i32 to index
          %get3A_375 = arith.constant 48 : index
          %get3A_376 = tpu.vector_load %arg18[%get3A_374, %get3A_375] {strides = array<i32>} : memref<32x128xf32, #tpu.memory_space<vmem>>, vector<1x16xf32>,
          %get3A_377 = vector.shape_cast %get3A_376 : vector<1x16xf32> to vector<16xf32>
          %get3A_378 = arith.index_cast %add3A_341 : i32 to index
          %get3A_379 = arith.constant 48 : index
          %get3A_380 = tpu.vector_load %arg20[%get3A_378, %get3A_379] {strides = array<i32>} : memref<32x128xf32, #tpu.memory_space<vmem>>, vector<1x16xf32>,
          %get3A_381 = vector.shape_cast %get3A_380 : vector<1x16xf32> to vector<16xf32>
          %mul3A_382 = arith.mulf %get3A_377, %get3A_381 : vector<16xf32>
          %mul3A_383 = arith.mulf %mul3A_382, %get3A_26 : vector<16xf32>
          %add3A_384 = arith.addf %add3A_373, %mul3A_383 : vector<16xf32>
          %get3A_385 = arith.index_cast %add3A_341 : i32 to index
          %get3A_386 = arith.constant 64 : index
          %get3A_387 = tpu.vector_load %arg18[%get3A_385, %get3A_386] {strides = array<i32>} : memref<32x128xf32, #tpu.memory_space<vmem>>, vector<1x16xf32>,
          %get3A_388 = vector.shape_cast %get3A_387 : vector<1x16xf32> to vector<16xf32>
          %get3A_389 = arith.index_cast %add3A_341 : i32 to index
          %get3A_390 = arith.constant 64 : index
          %get3A_391 = tpu.vector_load %arg20[%get3A_389, %get3A_390] {strides = array<i32>} : memref<32x128xf32, #tpu.memory_space<vmem>>, vector<1x16xf32>,
          %get3A_392 = vector.shape_cast %get3A_391 : vector<1x16xf32> to vector<16xf32>
          %mul3A_393 = arith.mulf %get3A_388, %get3A_392 : vector<16xf32>
          %mul3A_394 = arith.mulf %mul3A_393, %get3A_31 : vector<16xf32>
          %add3A_395 = arith.addf %add3A_384, %mul3A_394 : vector<16xf32>
          %get3A_396 = arith.index_cast %add3A_341 : i32 to index
          %get3A_397 = arith.constant 80 : index
          %get3A_398 = tpu.vector_load %arg18[%get3A_396, %get3A_397] {strides = array<i32>} : memref<32x128xf32, #tpu.memory_space<vmem>>, vector<1x16xf32>,
          %get3A_399 = vector.shape_cast %get3A_398 : vector<1x16xf32> to vector<16xf32>
          %get3A_400 = arith.index_cast %add3A_341 : i32 to index
          %get3A_401 = arith.constant 80 : index
          %get3A_402 = tpu.vector_load %arg20[%get3A_400, %get3A_401] {strides = array<i32>} : memref<32x128xf32, #tpu.memory_space<vmem>>, vector<1x16xf32>,
          %get3A_403 = vector.shape_cast %get3A_402 : vector<1x16xf32> to vector<16xf32>
          %mul3A_404 = arith.mulf %get3A_399, %get3A_403 : vector<16xf32>
          %mul3A_405 = arith.mulf %mul3A_404, %get3A_36 : vector<16xf32>
          %add3A_406 = arith.addf %add3A_395, %mul3A_405 : vector<16xf32>
          %get3A_407 = arith.index_cast %add3A_341 : i32 to index
          %get3A_408 = arith.constant 96 : index
          %get3A_409 = tpu.vector_load %arg18[%get3A_407, %get3A_408] {strides = array<i32>} : memref<32x128xf32, #tpu.memory_space<vmem>>, vector<1x16xf32>,
          %get3A_410 = vector.shape_cast %get3A_409 : vector<1x16xf32> to vector<16xf32>
          %get3A_411 = arith.index_cast %add3A_341 : i32 to index
          %get3A_412 = arith.constant 96 : index
          %get3A_413 = tpu.vector_load %arg20[%get3A_411, %get3A_412] {strides = array<i32>} : memref<32x128xf32, #tpu.memory_space<vmem>>, vector<1x16xf32>,
          %get3A_414 = vector.shape_cast %get3A_413 : vector<1x16xf32> to vector<16xf32>
          %mul3A_415 = arith.mulf %get3A_410, %get3A_414 : vector<16xf32>
          %mul3A_416 = arith.mulf %mul3A_415, %get3A_41 : vector<16xf32>
          %add3A_417 = arith.addf %add3A_406, %mul3A_416 : vector<16xf32>
          %get3A_418 = arith.index_cast %add3A_341 : i32 to index
          %get3A_419 = arith.constant 112 : index
          %get3A_420 = tpu.vector_load %arg18[%get3A_418, %get3A_419] {strides = array<i32>} : memref<32x128xf32, #tpu.memory_space<vmem>>, vector<1x16xf32>,
          %get3A_421 = vector.shape_cast %get3A_420 : vector<1x16xf32> to vector<16xf32>
          %get3A_422 = arith.index_cast %add3A_341 : i32 to index
          %get3A_423 = arith.constant 112 : index
          %get3A_424 = tpu.vector_load %arg20[%get3A_422, %get3A_423] {strides = array<i32>} : memref<32x128xf32, #tpu.memory_space<vmem>>, vector<1x16xf32>,
          %get3A_425 = vector.shape_cast %get3A_424 : vector<1x16xf32> to vector<16xf32>
          %mul3A_426 = arith.mulf %get3A_421, %get3A_425 : vector<16xf32>
          %mul3A_427 = arith.mulf %mul3A_426, %get3A_46 : vector<16xf32>
          %add3A_428 = arith.addf %add3A_417, %mul3A_427 : vector<16xf32>
          %mul3A_429 = arith.constant 32 : i32
          %mul3A_430 = arith.muli %mul3A_130, %mul3A_429 : i32
          %multiple_of3A_431 = tpu.assume_multiple %mul3A_430, 32 : i32
          %add3A_432 = arith.addi %multiple_of3A_431, %add3A_341 : i32
          %swap3A = arith.index_cast %add3A_432 : i32 to index
          %swap3A_433 = arith.constant 0 : index
          %swap3A_434 = tpu.vector_load %arg17[%swap3A, %swap3A_433] {strides = array<i32>} : memref<512x16xf32, #tpu.memory_space<vmem>>, vector<1x16xf32>,
          %swap3A_435 = vector.shape_cast %swap3A_434 : vector<1x16xf32> to vector<16xf32>
          %swap3A_436 = vector.shape_cast %add3A_428 : vector<16xf32> to vector<1x16xf32>
          tpu.vector_store %arg17[%swap3A, %swap3A_433], %swap3A_436 {strides = array<i32>} : memref<512x16xf32, #tpu.memory_space<vmem>>, vector<1x16xf32>,
          %mul3A_437 = arith.constant 2 : i32
          %mul3A_438 = arith.muli %scan3A_336, %mul3A_437 : i32
          %add3A_439 = arith.constant 1 : i32
          %add3A_440 = arith.addi %mul3A_438, %add3A_439 : i32
          %get3A_441 = arith.index_cast %add3A_440 : i32 to index
          %get3A_442 = arith.constant 0 : index
          %get3A_443 = tpu.vector_load %arg18[%get3A_441, %get3A_442] {strides = array<i32>} : memref<32x128xf32, #tpu.memory_space<vmem>>, vector<1x16xf32>,
          %get3A_444 = vector.shape_cast %get3A_443 : vector<1x16xf32> to vector<16xf32>
          %get3A_445 = arith.index_cast %add3A_440 : i32 to index
          %get3A_446 = arith.constant 0 : index
          %get3A_447 = tpu.vector_load %arg20[%get3A_445, %get3A_446] {strides = array<i32>} : memref<32x128xf32, #tpu.memory_space<vmem>>, vector<1x16xf32>,
          %get3A_448 = vector.shape_cast %get3A_447 : vector<1x16xf32> to vector<16xf32>
          %mul3A_449 = arith.mulf %get3A_444, %get3A_448 : vector<16xf32>
          %mul3A_450 = arith.mulf %mul3A_449, %get3A_11 : vector<16xf32>
          %get3A_451 = arith.index_cast %add3A_440 : i32 to index
          %get3A_452 = arith.constant 16 : index
          %get3A_453 = tpu.vector_load %arg18[%get3A_451, %get3A_452] {strides = array<i32>} : memref<32x128xf32, #tpu.memory_space<vmem>>, vector<1x16xf32>,
          %get3A_454 = vector.shape_cast %get3A_453 : vector<1x16xf32> to vector<16xf32>
          %get3A_455 = arith.index_cast %add3A_440 : i32 to index
          %get3A_456 = arith.constant 16 : index
          %get3A_457 = tpu.vector_load %arg20[%get3A_455, %get3A_456] {strides = array<i32>} : memref<32x128xf32, #tpu.memory_space<vmem>>, vector<1x16xf32>,
          %get3A_458 = vector.shape_cast %get3A_457 : vector<1x16xf32> to vector<16xf32>
          %mul3A_459 = arith.mulf %get3A_454, %get3A_458 : vector<16xf32>
          %mul3A_460 = arith.mulf %mul3A_459, %get3A_16 : vector<16xf32>
          %add3A_461 = arith.addf %mul3A_450, %mul3A_460 : vector<16xf32>
          %get3A_462 = arith.index_cast %add3A_440 : i32 to index
          %get3A_463 = arith.constant 32 : index
          %get3A_464 = tpu.vector_load %arg18[%get3A_462, %get3A_463] {strides = array<i32>} : memref<32x128xf32, #tpu.memory_space<vmem>>, vector<1x16xf32>,
          %get3A_465 = vector.shape_cast %get3A_464 : vector<1x16xf32> to vector<16xf32>
          %get3A_466 = arith.index_cast %add3A_440 : i32 to index
          %get3A_467 = arith.constant 32 : index
          %get3A_468 = tpu.vector_load %arg20[%get3A_466, %get3A_467] {strides = array<i32>} : memref<32x128xf32, #tpu.memory_space<vmem>>, vector<1x16xf32>,
          %get3A_469 = vector.shape_cast %get3A_468 : vector<1x16xf32> to vector<16xf32>
          %mul3A_470 = arith.mulf %get3A_465, %get3A_469 : vector<16xf32>
          %mul3A_471 = arith.mulf %mul3A_470, %get3A_21 : vector<16xf32>
          %add3A_472 = arith.addf %add3A_461, %mul3A_471 : vector<16xf32>
          %get3A_473 = arith.index_cast %add3A_440 : i32 to index
          %get3A_474 = arith.constant 48 : index
          %get3A_475 = tpu.vector_load %arg18[%get3A_473, %get3A_474] {strides = array<i32>} : memref<32x128xf32, #tpu.memory_space<vmem>>, vector<1x16xf32>,
          %get3A_476 = vector.shape_cast %get3A_475 : vector<1x16xf32> to vector<16xf32>
          %get3A_477 = arith.index_cast %add3A_440 : i32 to index
          %get3A_478 = arith.constant 48 : index
          %get3A_479 = tpu.vector_load %arg20[%get3A_477, %get3A_478] {strides = array<i32>} : memref<32x128xf32, #tpu.memory_space<vmem>>, vector<1x16xf32>,
          %get3A_480 = vector.shape_cast %get3A_479 : vector<1x16xf32> to vector<16xf32>
          %mul3A_481 = arith.mulf %get3A_476, %get3A_480 : vector<16xf32>
          %mul3A_482 = arith.mulf %mul3A_481, %get3A_26 : vector<16xf32>
          %add3A_483 = arith.addf %add3A_472, %mul3A_482 : vector<16xf32>
          %get3A_484 = arith.index_cast %add3A_440 : i32 to index
          %get3A_485 = arith.constant 64 : index
          %get3A_486 = tpu.vector_load %arg18[%get3A_484, %get3A_485] {strides = array<i32>} : memref<32x128xf32, #tpu.memory_space<vmem>>, vector<1x16xf32>,
          %get3A_487 = vector.shape_cast %get3A_486 : vector<1x16xf32> to vector<16xf32>
          %get3A_488 = arith.index_cast %add3A_440 : i32 to index
          %get3A_489 = arith.constant 64 : index
          %get3A_490 = tpu.vector_load %arg20[%get3A_488, %get3A_489] {strides = array<i32>} : memref<32x128xf32, #tpu.memory_space<vmem>>, vector<1x16xf32>,
          %get3A_491 = vector.shape_cast %get3A_490 : vector<1x16xf32> to vector<16xf32>
          %mul3A_492 = arith.mulf %get3A_487, %get3A_491 : vector<16xf32>
          %mul3A_493 = arith.mulf %mul3A_492, %get3A_31 : vector<16xf32>
          %add3A_494 = arith.addf %add3A_483, %mul3A_493 : vector<16xf32>
          %get3A_495 = arith.index_cast %add3A_440 : i32 to index
          %get3A_496 = arith.constant 80 : index
          %get3A_497 = tpu.vector_load %arg18[%get3A_495, %get3A_496] {strides = array<i32>} : memref<32x128xf32, #tpu.memory_space<vmem>>, vector<1x16xf32>,
          %get3A_498 = vector.shape_cast %get3A_497 : vector<1x16xf32> to vector<16xf32>
          %get3A_499 = arith.index_cast %add3A_440 : i32 to index
          %get3A_500 = arith.constant 80 : index
          %get3A_501 = tpu.vector_load %arg20[%get3A_499, %get3A_500] {strides = array<i32>} : memref<32x128xf32, #tpu.memory_space<vmem>>, vector<1x16xf32>,
          %get3A_502 = vector.shape_cast %get3A_501 : vector<1x16xf32> to vector<16xf32>
          %mul3A_503 = arith.mulf %get3A_498, %get3A_502 : vector<16xf32>
          %mul3A_504 = arith.mulf %mul3A_503, %get3A_36 : vector<16xf32>
          %add3A_505 = arith.addf %add3A_494, %mul3A_504 : vector<16xf32>
          %get3A_506 = arith.index_cast %add3A_440 : i32 to index
          %get3A_507 = arith.constant 96 : index
          %get3A_508 = tpu.vector_load %arg18[%get3A_506, %get3A_507] {strides = array<i32>} : memref<32x128xf32, #tpu.memory_space<vmem>>, vector<1x16xf32>,
          %get3A_509 = vector.shape_cast %get3A_508 : vector<1x16xf32> to vector<16xf32>
          %get3A_510 = arith.index_cast %add3A_440 : i32 to index
          %get3A_511 = arith.constant 96 : index
          %get3A_512 = tpu.vector_load %arg20[%get3A_510, %get3A_511] {strides = array<i32>} : memref<32x128xf32, #tpu.memory_space<vmem>>, vector<1x16xf32>,
          %get3A_513 = vector.shape_cast %get3A_512 : vector<1x16xf32> to vector<16xf32>
          %mul3A_514 = arith.mulf %get3A_509, %get3A_513 : vector<16xf32>
          %mul3A_515 = arith.mulf %mul3A_514, %get3A_41 : vector<16xf32>
          %add3A_516 = arith.addf %add3A_505, %mul3A_515 : vector<16xf32>
          %get3A_517 = arith.index_cast %add3A_440 : i32 to index
          %get3A_518 = arith.constant 112 : index
          %get3A_519 = tpu.vector_load %arg18[%get3A_517, %get3A_518] {strides = array<i32>} : memref<32x128xf32, #tpu.memory_space<vmem>>, vector<1x16xf32>,
          %get3A_520 = vector.shape_cast %get3A_519 : vector<1x16xf32> to vector<16xf32>
          %get3A_521 = arith.index_cast %add3A_440 : i32 to index
          %get3A_522 = arith.constant 112 : index
          %get3A_523 = tpu.vector_load %arg20[%get3A_521, %get3A_522] {strides = array<i32>} : memref<32x128xf32, #tpu.memory_space<vmem>>, vector<1x16xf32>,
          %get3A_524 = vector.shape_cast %get3A_523 : vector<1x16xf32> to vector<16xf32>
          %mul3A_525 = arith.mulf %get3A_520, %get3A_524 : vector<16xf32>
          %mul3A_526 = arith.mulf %mul3A_525, %get3A_46 : vector<16xf32>
          %add3A_527 = arith.addf %add3A_516, %mul3A_526 : vector<16xf32>
          %mul3A_528 = arith.constant 32 : i32
          %mul3A_529 = arith.muli %mul3A_130, %mul3A_528 : i32
          %multiple_of3A_530 = tpu.assume_multiple %mul3A_529, 32 : i32
          %add3A_531 = arith.addi %multiple_of3A_530, %add3A_440 : i32
          %swap3A_532 = arith.index_cast %add3A_531 : i32 to index
          %swap3A_533 = arith.constant 0 : index
          %swap3A_534 = tpu.vector_load %arg17[%swap3A_532, %swap3A_533] {strides = array<i32>} : memref<512x16xf32, #tpu.memory_space<vmem>>, vector<1x16xf32>,
          %swap3A_535 = vector.shape_cast %swap3A_534 : vector<1x16xf32> to vector<16xf32>
          %swap3A_536 = vector.shape_cast %add3A_527 : vector<16xf32> to vector<1x16xf32>
          tpu.vector_store %arg17[%swap3A_532, %swap3A_533], %swap3A_536 {strides = array<i32>} : memref<512x16xf32, #tpu.memory_space<vmem>>, vector<1x16xf32>,
          %scan3A_537 = arith.constant 0 : i32
          scf.yield %scan3A_537 : i32
        }
        %scan3A_190 = arith.constant 16 : i32
        %mul3A_191 = arith.constant 32 : i32
        %mul3A_192 = arith.muli %mul3A_130, %mul3A_191 : i32
        %multiple_of3A_193 = tpu.assume_multiple %mul3A_192, 32 : i32
        %add3A_194 = arith.addi %mul3A_2, %multiple_of3A_193 : i32
        %dma_wait3A_195 = arith.constant 0 : i32
        %dma_wait3A_196 = tpu.memref_slice %arg10[%add3A_194, %dma_wait3A_195] : memref<16384x128xf32, #tpu.memory_space<hbm>> -> memref<32x128xf32, #tpu.memory_space<hbm>>
        %dma_wait3A_197 = arith.constant 0 : i32
        %dma_wait3A_198 = tpu.memref_slice %arg10[%add3A_194, %dma_wait3A_197] : memref<16384x128xf32, #tpu.memory_space<hbm>> -> memref<32x128xf32, #tpu.memory_space<hbm>>
        tpu.wait_dma2 semaphore(%arg34 : memref<!tpu.dma_semaphore, #tpu.memory_space<semaphore_mem>>) src(%arg22 : memref<32x128xf32, #tpu.memory_space<vmem>>) dst(%dma_wait3A_198 : memref<32x128xf32, #tpu.memory_space<hbm>>)
        %mul3A_199 = arith.constant 32 : i32
        %mul3A_200 = arith.muli %mul3A_130, %mul3A_199 : i32
        %multiple_of3A_201 = tpu.assume_multiple %mul3A_200, 32 : i32
        %add3A_202 = arith.addi %mul3A_2, %multiple_of3A_201 : i32
        %dma_wait3A_203 = arith.constant 0 : i32
        %dma_wait3A_204 = tpu.memref_slice %arg11[%add3A_202, %dma_wait3A_203] : memref<16384x128xf32, #tpu.memory_space<hbm>> -> memref<32x128xf32, #tpu.memory_space<hbm>>
        %dma_wait3A_205 = arith.constant 0 : i32
        %dma_wait3A_206 = tpu.memref_slice %arg11[%add3A_202, %dma_wait3A_205] : memref<16384x128xf32, #tpu.memory_space<hbm>> -> memref<32x128xf32, #tpu.memory_space<hbm>>
        tpu.wait_dma2 semaphore(%arg36 : memref<!tpu.dma_semaphore, #tpu.memory_space<semaphore_mem>>) src(%arg24 : memref<32x128xf32, #tpu.memory_space<vmem>>) dst(%dma_wait3A_206 : memref<32x128xf32, #tpu.memory_space<hbm>>)
        %add3A_207 = arith.constant 2 : i32
        %add3A_208 = arith.addi %mul3A_130, %add3A_207 : i32
        %mul3A_209 = arith.constant 32 : i32
        %mul3A_210 = arith.muli %add3A_208, %mul3A_209 : i32
        %multiple_of3A_211 = tpu.assume_multiple %mul3A_210, 32 : i32
        %dma_start3A_212 = tpu.memref_slice %arg14[%multiple_of3A_211] : memref<512xi32, #tpu.memory_space<vmem>> -> memref<32xi32, #tpu.memory_space<vmem>>
        %dma_start3A_213 = arith.constant 0 : i32
        %dma_start3A_214 = arith.constant 0 : i32
        %dma_start3A_215 = tpu.memref_slice %arg5[%dma_start3A_213, %dma_start3A_214] : memref<1000000x128xf32, #tpu.memory_space<hbm>> -> memref<1000000x128xf32, #tpu.memory_space<hbm>>
        tpu.enqueue_indirect_dma source(%dma_start3A_215 : memref<1000000x128xf32, #tpu.memory_space<hbm>>) target(%arg18 : memref<32x128xf32, #tpu.memory_space<vmem>>) offsets(%dma_start3A_212 : memref<32xi32, #tpu.memory_space<vmem>>) semaphore(%arg26 : memref<!tpu.dma_semaphore, #tpu.memory_space<semaphore_mem>>)
        %mul3A_216 = arith.constant 32 : i32
        %mul3A_217 = arith.muli %add3A_208, %mul3A_216 : i32
        %multiple_of3A_218 = tpu.assume_multiple %mul3A_217, 32 : i32
        %dma_start3A_219 = tpu.memref_slice %arg15[%multiple_of3A_218] : memref<512xi32, #tpu.memory_space<vmem>> -> memref<32xi32, #tpu.memory_space<vmem>>
        %dma_start3A_220 = arith.constant 0 : i32
        %dma_start3A_221 = arith.constant 0 : i32
        %dma_start3A_222 = tpu.memref_slice %arg6[%dma_start3A_220, %dma_start3A_221] : memref<1000000x128xf32, #tpu.memory_space<hbm>> -> memref<1000000x128xf32, #tpu.memory_space<hbm>>
        tpu.enqueue_indirect_dma source(%dma_start3A_222 : memref<1000000x128xf32, #tpu.memory_space<hbm>>) target(%arg20 : memref<32x128xf32, #tpu.memory_space<vmem>>) offsets(%dma_start3A_219 : memref<32xi32, #tpu.memory_space<vmem>>) semaphore(%arg28 : memref<!tpu.dma_semaphore, #tpu.memory_space<semaphore_mem>>)
        %mul3A_223 = arith.constant 32 : i32
        %mul3A_224 = arith.muli %add3A_208, %mul3A_223 : i32
        %multiple_of3A_225 = tpu.assume_multiple %mul3A_224, 32 : i32
        %dma_start3A_226 = tpu.memref_slice %arg14[%multiple_of3A_225] : memref<512xi32, #tpu.memory_space<vmem>> -> memref<32xi32, #tpu.memory_space<vmem>>
        %dma_start3A_227 = arith.constant 0 : i32
        %dma_start3A_228 = arith.constant 0 : i32
        %dma_start3A_229 = tpu.memref_slice %arg7[%dma_start3A_227, %dma_start3A_228] : memref<1000000x128xf32, #tpu.memory_space<hbm>> -> memref<1000000x128xf32, #tpu.memory_space<hbm>>
        tpu.enqueue_indirect_dma source(%dma_start3A_229 : memref<1000000x128xf32, #tpu.memory_space<hbm>>) target(%arg22 : memref<32x128xf32, #tpu.memory_space<vmem>>) offsets(%dma_start3A_226 : memref<32xi32, #tpu.memory_space<vmem>>) semaphore(%arg30 : memref<!tpu.dma_semaphore, #tpu.memory_space<semaphore_mem>>)
        %mul3A_230 = arith.constant 32 : i32
        %mul3A_231 = arith.muli %add3A_208, %mul3A_230 : i32
        %multiple_of3A_232 = tpu.assume_multiple %mul3A_231, 32 : i32
        %dma_start3A_233 = tpu.memref_slice %arg15[%multiple_of3A_232] : memref<512xi32, #tpu.memory_space<vmem>> -> memref<32xi32, #tpu.memory_space<vmem>>
        %dma_start3A_234 = arith.constant 0 : i32
        %dma_start3A_235 = arith.constant 0 : i32
        %dma_start3A_236 = tpu.memref_slice %arg8[%dma_start3A_234, %dma_start3A_235] : memref<1000000x128xf32, #tpu.memory_space<hbm>> -> memref<1000000x128xf32, #tpu.memory_space<hbm>>
        tpu.enqueue_indirect_dma source(%dma_start3A_236 : memref<1000000x128xf32, #tpu.memory_space<hbm>>) target(%arg24 : memref<32x128xf32, #tpu.memory_space<vmem>>) offsets(%dma_start3A_233 : memref<32xi32, #tpu.memory_space<vmem>>) semaphore(%arg32 : memref<!tpu.dma_semaphore, #tpu.memory_space<semaphore_mem>>)
        %add3A_237 = arith.constant 1 : i32
        %add3A_238 = arith.addi %mul3A_130, %add3A_237 : i32
        %mul3A_239 = arith.constant 32 : i32
        %mul3A_240 = arith.muli %add3A_238, %mul3A_239 : i32
        %multiple_of3A_241 = tpu.assume_multiple %mul3A_240, 32 : i32
        %dma_wait3A_242 = tpu.memref_slice %arg14[%multiple_of3A_241] : memref<512xi32, #tpu.memory_space<vmem>> -> memref<32xi32, #tpu.memory_space<vmem>>
        %dma_wait3A_243 = arith.constant 0 : i32
        %dma_wait3A_244 = arith.constant 0 : i32
        %dma_wait3A_245 = tpu.memref_slice %arg7[%dma_wait3A_243, %dma_wait3A_244] : memref<1000000x128xf32, #tpu.memory_space<hbm>> -> memref<1000000x128xf32, #tpu.memory_space<hbm>>
        tpu.wait_indirect_dma semaphore(%arg31 : memref<!tpu.dma_semaphore, #tpu.memory_space<semaphore_mem>>) src(%dma_wait3A_245 : memref<1000000x128xf32, #tpu.memory_space<hbm>>) dst(%arg23 : memref<32x128xf32, #tpu.memory_space<vmem>>)
        %mul3A_246 = arith.constant 32 : i32
        %mul3A_247 = arith.muli %add3A_238, %mul3A_246 : i32
        %multiple_of3A_248 = tpu.assume_multiple %mul3A_247, 32 : i32
        %dma_wait3A_249 = tpu.memref_slice %arg15[%multiple_of3A_248] : memref<512xi32, #tpu.memory_space<vmem>> -> memref<32xi32, #tpu.memory_space<vmem>>
        %dma_wait3A_250 = arith.constant 0 : i32
        %dma_wait3A_251 = arith.constant 0 : i32
        %dma_wait3A_252 = tpu.memref_slice %arg8[%dma_wait3A_250, %dma_wait3A_251] : memref<1000000x128xf32, #tpu.memory_space<hbm>> -> memref<1000000x128xf32, #tpu.memory_space<hbm>>
        tpu.wait_indirect_dma semaphore(%arg33 : memref<!tpu.dma_semaphore, #tpu.memory_space<semaphore_mem>>) src(%dma_wait3A_252 : memref<1000000x128xf32, #tpu.memory_space<hbm>>) dst(%arg25 : memref<32x128xf32, #tpu.memory_space<vmem>>)
        %mul3A_253 = arith.constant 32 : i32
        %mul3A_254 = arith.muli %add3A_238, %mul3A_253 : i32
        %multiple_of3A_255 = tpu.assume_multiple %mul3A_254, 32 : i32
        %add3A_256 = arith.addi %mul3A_2, %multiple_of3A_255 : i32
        %dma_start3A_257 = arith.constant 0 : i32
        %dma_start3A_258 = tpu.memref_slice %arg10[%add3A_256, %dma_start3A_257] : memref<16384x128xf32, #tpu.memory_space<hbm>> -> memref<32x128xf32, #tpu.memory_space<hbm>>
        %dma_start3A_259 = arith.constant 0 : i32
        %dma_start3A_260 = tpu.memref_slice %arg10[%add3A_256, %dma_start3A_259] : memref<16384x128xf32, #tpu.memory_space<hbm>> -> memref<32x128xf32, #tpu.memory_space<hbm>>
        tpu.enqueue_dma source(%arg23 : memref<32x128xf32, #tpu.memory_space<vmem>>) target(%dma_start3A_260 : memref<32x128xf32, #tpu.memory_space<hbm>>) target_semaphore(%arg35 : memref<!tpu.dma_semaphore, #tpu.memory_space<semaphore_mem>>)
        %mul3A_261 = arith.constant 32 : i32
        %mul3A_262 = arith.muli %add3A_238, %mul3A_261 : i32
        %multiple_of3A_263 = tpu.assume_multiple %mul3A_262, 32 : i32
        %add3A_264 = arith.addi %mul3A_2, %multiple_of3A_263 : i32
        %dma_start3A_265 = arith.constant 0 : i32
        %dma_start3A_266 = tpu.memref_slice %arg11[%add3A_264, %dma_start3A_265] : memref<16384x128xf32, #tpu.memory_space<hbm>> -> memref<32x128xf32, #tpu.memory_space<hbm>>
        %dma_start3A_267 = arith.constant 0 : i32
        %dma_start3A_268 = tpu.memref_slice %arg11[%add3A_264, %dma_start3A_267] : memref<16384x128xf32, #tpu.memory_space<hbm>> -> memref<32x128xf32, #tpu.memory_space<hbm>>
        tpu.enqueue_dma source(%arg25 : memref<32x128xf32, #tpu.memory_space<vmem>>) target(%dma_start3A_268 : memref<32x128xf32, #tpu.memory_space<hbm>>) target_semaphore(%arg37 : memref<!tpu.dma_semaphore, #tpu.memory_space<semaphore_mem>>)
        %mul3A_269 = arith.constant 32 : i32
        %mul3A_270 = arith.muli %add3A_238, %mul3A_269 : i32
        %multiple_of3A_271 = tpu.assume_multiple %mul3A_270, 32 : i32
        %dma_wait3A_272 = tpu.memref_slice %arg14[%multiple_of3A_271] : memref<512xi32, #tpu.memory_space<vmem>> -> memref<32xi32, #tpu.memory_space<vmem>>
        %dma_wait3A_273 = arith.constant 0 : i32
        %dma_wait3A_274 = arith.constant 0 : i32
        %dma_wait3A_275 = tpu.memref_slice %arg5[%dma_wait3A_273, %dma_wait3A_274] : memref<1000000x128xf32, #tpu.memory_space<hbm>> -> memref<1000000x128xf32, #tpu.memory_space<hbm>>
        tpu.wait_indirect_dma semaphore(%arg27 : memref<!tpu.dma_semaphore, #tpu.memory_space<semaphore_mem>>) src(%dma_wait3A_275 : memref<1000000x128xf32, #tpu.memory_space<hbm>>) dst(%arg19 : memref<32x128xf32, #tpu.memory_space<vmem>>)
        %mul3A_276 = arith.constant 32 : i32
        %mul3A_277 = arith.muli %add3A_238, %mul3A_276 : i32
        %multiple_of3A_278 = tpu.assume_multiple %mul3A_277, 32 : i32
        %dma_wait3A_279 = tpu.memref_slice %arg15[%multiple_of3A_278] : memref<512xi32, #tpu.memory_space<vmem>> -> memref<32xi32, #tpu.memory_space<vmem>>
        %dma_wait3A_280 = arith.constant 0 : i32
        %dma_wait3A_281 = arith.constant 0 : i32
        %dma_wait3A_282 = tpu.memref_slice %arg6[%dma_wait3A_280, %dma_wait3A_281] : memref<1000000x128xf32, #tpu.memory_space<hbm>> -> memref<1000000x128xf32, #tpu.memory_space<hbm>>
        tpu.wait_indirect_dma semaphore(%arg29 : memref<!tpu.dma_semaphore, #tpu.memory_space<semaphore_mem>>) src(%dma_wait3A_282 : memref<1000000x128xf32, #tpu.memory_space<hbm>>) dst(%arg21 : memref<32x128xf32, #tpu.memory_space<vmem>>)
        %scan3A_283 = arith.constant 0 : i32
        %scan3A_284 = arith.constant 0 : i32
        %scan3A_285 = arith.constant 16 : i32
        %scan3A_286 = arith.addi %scan3A_284, %scan3A_285 : i32
        %scan3A_287 = arith.constant 1 : i32
        %scan3A_288 = scf.for %scan3A_336 = %scan3A_284 to %scan3A_286 step %scan3A_287 iter_args(%scan3A_337 = %scan3A_283) -> (i32)  : i32 {
          %mul3A_338 = arith.constant 2 : i32
          %mul3A_339 = arith.muli %scan3A_336, %mul3A_338 : i32
          %add3A_340 = arith.constant 0 : i32
          %add3A_341 = arith.addi %mul3A_339, %add3A_340 : i32
          %get3A_342 = arith.index_cast %add3A_341 : i32 to index
          %get3A_343 = arith.constant 0 : index
          %get3A_344 = tpu.vector_load %arg19[%get3A_342, %get3A_343] {strides = array<i32>} : memref<32x128xf32, #tpu.memory_space<vmem>>, vector<1x16xf32>,
          %get3A_345 = vector.shape_cast %get3A_344 : vector<1x16xf32> to vector<16xf32>
          %get3A_346 = arith.index_cast %add3A_341 : i32 to index
          %get3A_347 = arith.constant 0 : index
          %get3A_348 = tpu.vector_load %arg21[%get3A_346, %get3A_347] {strides = array<i32>} : memref<32x128xf32, #tpu.memory_space<vmem>>, vector<1x16xf32>,
          %get3A_349 = vector.shape_cast %get3A_348 : vector<1x16xf32> to vector<16xf32>
          %mul3A_350 = arith.mulf %get3A_345, %get3A_349 : vector<16xf32>
          %mul3A_351 = arith.mulf %mul3A_350, %get3A_11 : vector<16xf32>
          %get3A_352 = arith.index_cast %add3A_341 : i32 to index
          %get3A_353 = arith.constant 16 : index
          %get3A_354 = tpu.vector_load %arg19[%get3A_352, %get3A_353] {strides = array<i32>} : memref<32x128xf32, #tpu.memory_space<vmem>>, vector<1x16xf32>,
          %get3A_355 = vector.shape_cast %get3A_354 : vector<1x16xf32> to vector<16xf32>
          %get3A_356 = arith.index_cast %add3A_341 : i32 to index
          %get3A_357 = arith.constant 16 : index
          %get3A_358 = tpu.vector_load %arg21[%get3A_356, %get3A_357] {strides = array<i32>} : memref<32x128xf32, #tpu.memory_space<vmem>>, vector<1x16xf32>,
          %get3A_359 = vector.shape_cast %get3A_358 : vector<1x16xf32> to vector<16xf32>
          %mul3A_360 = arith.mulf %get3A_355, %get3A_359 : vector<16xf32>
          %mul3A_361 = arith.mulf %mul3A_360, %get3A_16 : vector<16xf32>
          %add3A_362 = arith.addf %mul3A_351, %mul3A_361 : vector<16xf32>
          %get3A_363 = arith.index_cast %add3A_341 : i32 to index
          %get3A_364 = arith.constant 32 : index
          %get3A_365 = tpu.vector_load %arg19[%get3A_363, %get3A_364] {strides = array<i32>} : memref<32x128xf32, #tpu.memory_space<vmem>>, vector<1x16xf32>,
          %get3A_366 = vector.shape_cast %get3A_365 : vector<1x16xf32> to vector<16xf32>
          %get3A_367 = arith.index_cast %add3A_341 : i32 to index
          %get3A_368 = arith.constant 32 : index
          %get3A_369 = tpu.vector_load %arg21[%get3A_367, %get3A_368] {strides = array<i32>} : memref<32x128xf32, #tpu.memory_space<vmem>>, vector<1x16xf32>,
          %get3A_370 = vector.shape_cast %get3A_369 : vector<1x16xf32> to vector<16xf32>
          %mul3A_371 = arith.mulf %get3A_366, %get3A_370 : vector<16xf32>
          %mul3A_372 = arith.mulf %mul3A_371, %get3A_21 : vector<16xf32>
          %add3A_373 = arith.addf %add3A_362, %mul3A_372 : vector<16xf32>
          %get3A_374 = arith.index_cast %add3A_341 : i32 to index
          %get3A_375 = arith.constant 48 : index
          %get3A_376 = tpu.vector_load %arg19[%get3A_374, %get3A_375] {strides = array<i32>} : memref<32x128xf32, #tpu.memory_space<vmem>>, vector<1x16xf32>,
          %get3A_377 = vector.shape_cast %get3A_376 : vector<1x16xf32> to vector<16xf32>
          %get3A_378 = arith.index_cast %add3A_341 : i32 to index
          %get3A_379 = arith.constant 48 : index
          %get3A_380 = tpu.vector_load %arg21[%get3A_378, %get3A_379] {strides = array<i32>} : memref<32x128xf32, #tpu.memory_space<vmem>>, vector<1x16xf32>,
          %get3A_381 = vector.shape_cast %get3A_380 : vector<1x16xf32> to vector<16xf32>
          %mul3A_382 = arith.mulf %get3A_377, %get3A_381 : vector<16xf32>
          %mul3A_383 = arith.mulf %mul3A_382, %get3A_26 : vector<16xf32>
          %add3A_384 = arith.addf %add3A_373, %mul3A_383 : vector<16xf32>
          %get3A_385 = arith.index_cast %add3A_341 : i32 to index
          %get3A_386 = arith.constant 64 : index
          %get3A_387 = tpu.vector_load %arg19[%get3A_385, %get3A_386] {strides = array<i32>} : memref<32x128xf32, #tpu.memory_space<vmem>>, vector<1x16xf32>,
          %get3A_388 = vector.shape_cast %get3A_387 : vector<1x16xf32> to vector<16xf32>
          %get3A_389 = arith.index_cast %add3A_341 : i32 to index
          %get3A_390 = arith.constant 64 : index
          %get3A_391 = tpu.vector_load %arg21[%get3A_389, %get3A_390] {strides = array<i32>} : memref<32x128xf32, #tpu.memory_space<vmem>>, vector<1x16xf32>,
          %get3A_392 = vector.shape_cast %get3A_391 : vector<1x16xf32> to vector<16xf32>
          %mul3A_393 = arith.mulf %get3A_388, %get3A_392 : vector<16xf32>
          %mul3A_394 = arith.mulf %mul3A_393, %get3A_31 : vector<16xf32>
          %add3A_395 = arith.addf %add3A_384, %mul3A_394 : vector<16xf32>
          %get3A_396 = arith.index_cast %add3A_341 : i32 to index
          %get3A_397 = arith.constant 80 : index
          %get3A_398 = tpu.vector_load %arg19[%get3A_396, %get3A_397] {strides = array<i32>} : memref<32x128xf32, #tpu.memory_space<vmem>>, vector<1x16xf32>,
          %get3A_399 = vector.shape_cast %get3A_398 : vector<1x16xf32> to vector<16xf32>
          %get3A_400 = arith.index_cast %add3A_341 : i32 to index
          %get3A_401 = arith.constant 80 : index
          %get3A_402 = tpu.vector_load %arg21[%get3A_400, %get3A_401] {strides = array<i32>} : memref<32x128xf32, #tpu.memory_space<vmem>>, vector<1x16xf32>,
          %get3A_403 = vector.shape_cast %get3A_402 : vector<1x16xf32> to vector<16xf32>
          %mul3A_404 = arith.mulf %get3A_399, %get3A_403 : vector<16xf32>
          %mul3A_405 = arith.mulf %mul3A_404, %get3A_36 : vector<16xf32>
          %add3A_406 = arith.addf %add3A_395, %mul3A_405 : vector<16xf32>
          %get3A_407 = arith.index_cast %add3A_341 : i32 to index
          %get3A_408 = arith.constant 96 : index
          %get3A_409 = tpu.vector_load %arg19[%get3A_407, %get3A_408] {strides = array<i32>} : memref<32x128xf32, #tpu.memory_space<vmem>>, vector<1x16xf32>,
          %get3A_410 = vector.shape_cast %get3A_409 : vector<1x16xf32> to vector<16xf32>
          %get3A_411 = arith.index_cast %add3A_341 : i32 to index
          %get3A_412 = arith.constant 96 : index
          %get3A_413 = tpu.vector_load %arg21[%get3A_411, %get3A_412] {strides = array<i32>} : memref<32x128xf32, #tpu.memory_space<vmem>>, vector<1x16xf32>,
          %get3A_414 = vector.shape_cast %get3A_413 : vector<1x16xf32> to vector<16xf32>
          %mul3A_415 = arith.mulf %get3A_410, %get3A_414 : vector<16xf32>
          %mul3A_416 = arith.mulf %mul3A_415, %get3A_41 : vector<16xf32>
          %add3A_417 = arith.addf %add3A_406, %mul3A_416 : vector<16xf32>
          %get3A_418 = arith.index_cast %add3A_341 : i32 to index
          %get3A_419 = arith.constant 112 : index
          %get3A_420 = tpu.vector_load %arg19[%get3A_418, %get3A_419] {strides = array<i32>} : memref<32x128xf32, #tpu.memory_space<vmem>>, vector<1x16xf32>,
          %get3A_421 = vector.shape_cast %get3A_420 : vector<1x16xf32> to vector<16xf32>
          %get3A_422 = arith.index_cast %add3A_341 : i32 to index
          %get3A_423 = arith.constant 112 : index
          %get3A_424 = tpu.vector_load %arg21[%get3A_422, %get3A_423] {strides = array<i32>} : memref<32x128xf32, #tpu.memory_space<vmem>>, vector<1x16xf32>,
          %get3A_425 = vector.shape_cast %get3A_424 : vector<1x16xf32> to vector<16xf32>
          %mul3A_426 = arith.mulf %get3A_421, %get3A_425 : vector<16xf32>
          %mul3A_427 = arith.mulf %mul3A_426, %get3A_46 : vector<16xf32>
          %add3A_428 = arith.addf %add3A_417, %mul3A_427 : vector<16xf32>
          %mul3A_429 = arith.constant 32 : i32
          %mul3A_430 = arith.muli %add3A_238, %mul3A_429 : i32
          %multiple_of3A_431 = tpu.assume_multiple %mul3A_430, 32 : i32
          %add3A_432 = arith.addi %multiple_of3A_431, %add3A_341 : i32
          %swap3A = arith.index_cast %add3A_432 : i32 to index
          %swap3A_433 = arith.constant 0 : index
          %swap3A_434 = tpu.vector_load %arg17[%swap3A, %swap3A_433] {strides = array<i32>} : memref<512x16xf32, #tpu.memory_space<vmem>>, vector<1x16xf32>,
          %swap3A_435 = vector.shape_cast %swap3A_434 : vector<1x16xf32> to vector<16xf32>
          %swap3A_436 = vector.shape_cast %add3A_428 : vector<16xf32> to vector<1x16xf32>
          tpu.vector_store %arg17[%swap3A, %swap3A_433], %swap3A_436 {strides = array<i32>} : memref<512x16xf32, #tpu.memory_space<vmem>>, vector<1x16xf32>,
          %mul3A_437 = arith.constant 2 : i32
          %mul3A_438 = arith.muli %scan3A_336, %mul3A_437 : i32
          %add3A_439 = arith.constant 1 : i32
          %add3A_440 = arith.addi %mul3A_438, %add3A_439 : i32
          %get3A_441 = arith.index_cast %add3A_440 : i32 to index
          %get3A_442 = arith.constant 0 : index
          %get3A_443 = tpu.vector_load %arg19[%get3A_441, %get3A_442] {strides = array<i32>} : memref<32x128xf32, #tpu.memory_space<vmem>>, vector<1x16xf32>,
          %get3A_444 = vector.shape_cast %get3A_443 : vector<1x16xf32> to vector<16xf32>
          %get3A_445 = arith.index_cast %add3A_440 : i32 to index
          %get3A_446 = arith.constant 0 : index
          %get3A_447 = tpu.vector_load %arg21[%get3A_445, %get3A_446] {strides = array<i32>} : memref<32x128xf32, #tpu.memory_space<vmem>>, vector<1x16xf32>,
          %get3A_448 = vector.shape_cast %get3A_447 : vector<1x16xf32> to vector<16xf32>
          %mul3A_449 = arith.mulf %get3A_444, %get3A_448 : vector<16xf32>
          %mul3A_450 = arith.mulf %mul3A_449, %get3A_11 : vector<16xf32>
          %get3A_451 = arith.index_cast %add3A_440 : i32 to index
          %get3A_452 = arith.constant 16 : index
          %get3A_453 = tpu.vector_load %arg19[%get3A_451, %get3A_452] {strides = array<i32>} : memref<32x128xf32, #tpu.memory_space<vmem>>, vector<1x16xf32>,
          %get3A_454 = vector.shape_cast %get3A_453 : vector<1x16xf32> to vector<16xf32>
          %get3A_455 = arith.index_cast %add3A_440 : i32 to index
          %get3A_456 = arith.constant 16 : index
          %get3A_457 = tpu.vector_load %arg21[%get3A_455, %get3A_456] {strides = array<i32>} : memref<32x128xf32, #tpu.memory_space<vmem>>, vector<1x16xf32>,
          %get3A_458 = vector.shape_cast %get3A_457 : vector<1x16xf32> to vector<16xf32>
          %mul3A_459 = arith.mulf %get3A_454, %get3A_458 : vector<16xf32>
          %mul3A_460 = arith.mulf %mul3A_459, %get3A_16 : vector<16xf32>
          %add3A_461 = arith.addf %mul3A_450, %mul3A_460 : vector<16xf32>
          %get3A_462 = arith.index_cast %add3A_440 : i32 to index
          %get3A_463 = arith.constant 32 : index
          %get3A_464 = tpu.vector_load %arg19[%get3A_462, %get3A_463] {strides = array<i32>} : memref<32x128xf32, #tpu.memory_space<vmem>>, vector<1x16xf32>,
          %get3A_465 = vector.shape_cast %get3A_464 : vector<1x16xf32> to vector<16xf32>
          %get3A_466 = arith.index_cast %add3A_440 : i32 to index
          %get3A_467 = arith.constant 32 : index
          %get3A_468 = tpu.vector_load %arg21[%get3A_466, %get3A_467] {strides = array<i32>} : memref<32x128xf32, #tpu.memory_space<vmem>>, vector<1x16xf32>,
          %get3A_469 = vector.shape_cast %get3A_468 : vector<1x16xf32> to vector<16xf32>
          %mul3A_470 = arith.mulf %get3A_465, %get3A_469 : vector<16xf32>
          %mul3A_471 = arith.mulf %mul3A_470, %get3A_21 : vector<16xf32>
          %add3A_472 = arith.addf %add3A_461, %mul3A_471 : vector<16xf32>
          %get3A_473 = arith.index_cast %add3A_440 : i32 to index
          %get3A_474 = arith.constant 48 : index
          %get3A_475 = tpu.vector_load %arg19[%get3A_473, %get3A_474] {strides = array<i32>} : memref<32x128xf32, #tpu.memory_space<vmem>>, vector<1x16xf32>,
          %get3A_476 = vector.shape_cast %get3A_475 : vector<1x16xf32> to vector<16xf32>
          %get3A_477 = arith.index_cast %add3A_440 : i32 to index
          %get3A_478 = arith.constant 48 : index
          %get3A_479 = tpu.vector_load %arg21[%get3A_477, %get3A_478] {strides = array<i32>} : memref<32x128xf32, #tpu.memory_space<vmem>>, vector<1x16xf32>,
          %get3A_480 = vector.shape_cast %get3A_479 : vector<1x16xf32> to vector<16xf32>
          %mul3A_481 = arith.mulf %get3A_476, %get3A_480 : vector<16xf32>
          %mul3A_482 = arith.mulf %mul3A_481, %get3A_26 : vector<16xf32>
          %add3A_483 = arith.addf %add3A_472, %mul3A_482 : vector<16xf32>
          %get3A_484 = arith.index_cast %add3A_440 : i32 to index
          %get3A_485 = arith.constant 64 : index
          %get3A_486 = tpu.vector_load %arg19[%get3A_484, %get3A_485] {strides = array<i32>} : memref<32x128xf32, #tpu.memory_space<vmem>>, vector<1x16xf32>,
          %get3A_487 = vector.shape_cast %get3A_486 : vector<1x16xf32> to vector<16xf32>
          %get3A_488 = arith.index_cast %add3A_440 : i32 to index
          %get3A_489 = arith.constant 64 : index
          %get3A_490 = tpu.vector_load %arg21[%get3A_488, %get3A_489] {strides = array<i32>} : memref<32x128xf32, #tpu.memory_space<vmem>>, vector<1x16xf32>,
          %get3A_491 = vector.shape_cast %get3A_490 : vector<1x16xf32> to vector<16xf32>
          %mul3A_492 = arith.mulf %get3A_487, %get3A_491 : vector<16xf32>
          %mul3A_493 = arith.mulf %mul3A_492, %get3A_31 : vector<16xf32>
          %add3A_494 = arith.addf %add3A_483, %mul3A_493 : vector<16xf32>
          %get3A_495 = arith.index_cast %add3A_440 : i32 to index
          %get3A_496 = arith.constant 80 : index
          %get3A_497 = tpu.vector_load %arg19[%get3A_495, %get3A_496] {strides = array<i32>} : memref<32x128xf32, #tpu.memory_space<vmem>>, vector<1x16xf32>,
          %get3A_498 = vector.shape_cast %get3A_497 : vector<1x16xf32> to vector<16xf32>
          %get3A_499 = arith.index_cast %add3A_440 : i32 to index
          %get3A_500 = arith.constant 80 : index
          %get3A_501 = tpu.vector_load %arg21[%get3A_499, %get3A_500] {strides = array<i32>} : memref<32x128xf32, #tpu.memory_space<vmem>>, vector<1x16xf32>,
          %get3A_502 = vector.shape_cast %get3A_501 : vector<1x16xf32> to vector<16xf32>
          %mul3A_503 = arith.mulf %get3A_498, %get3A_502 : vector<16xf32>
          %mul3A_504 = arith.mulf %mul3A_503, %get3A_36 : vector<16xf32>
          %add3A_505 = arith.addf %add3A_494, %mul3A_504 : vector<16xf32>
          %get3A_506 = arith.index_cast %add3A_440 : i32 to index
          %get3A_507 = arith.constant 96 : index
          %get3A_508 = tpu.vector_load %arg19[%get3A_506, %get3A_507] {strides = array<i32>} : memref<32x128xf32, #tpu.memory_space<vmem>>, vector<1x16xf32>,
          %get3A_509 = vector.shape_cast %get3A_508 : vector<1x16xf32> to vector<16xf32>
          %get3A_510 = arith.index_cast %add3A_440 : i32 to index
          %get3A_511 = arith.constant 96 : index
          %get3A_512 = tpu.vector_load %arg21[%get3A_510, %get3A_511] {strides = array<i32>} : memref<32x128xf32, #tpu.memory_space<vmem>>, vector<1x16xf32>,
          %get3A_513 = vector.shape_cast %get3A_512 : vector<1x16xf32> to vector<16xf32>
          %mul3A_514 = arith.mulf %get3A_509, %get3A_513 : vector<16xf32>
          %mul3A_515 = arith.mulf %mul3A_514, %get3A_41 : vector<16xf32>
          %add3A_516 = arith.addf %add3A_505, %mul3A_515 : vector<16xf32>
          %get3A_517 = arith.index_cast %add3A_440 : i32 to index
          %get3A_518 = arith.constant 112 : index
          %get3A_519 = tpu.vector_load %arg19[%get3A_517, %get3A_518] {strides = array<i32>} : memref<32x128xf32, #tpu.memory_space<vmem>>, vector<1x16xf32>,
          %get3A_520 = vector.shape_cast %get3A_519 : vector<1x16xf32> to vector<16xf32>
          %get3A_521 = arith.index_cast %add3A_440 : i32 to index
          %get3A_522 = arith.constant 112 : index
          %get3A_523 = tpu.vector_load %arg21[%get3A_521, %get3A_522] {strides = array<i32>} : memref<32x128xf32, #tpu.memory_space<vmem>>, vector<1x16xf32>,
          %get3A_524 = vector.shape_cast %get3A_523 : vector<1x16xf32> to vector<16xf32>
          %mul3A_525 = arith.mulf %get3A_520, %get3A_524 : vector<16xf32>
          %mul3A_526 = arith.mulf %mul3A_525, %get3A_46 : vector<16xf32>
          %add3A_527 = arith.addf %add3A_516, %mul3A_526 : vector<16xf32>
          %mul3A_528 = arith.constant 32 : i32
          %mul3A_529 = arith.muli %add3A_238, %mul3A_528 : i32
          %multiple_of3A_530 = tpu.assume_multiple %mul3A_529, 32 : i32
          %add3A_531 = arith.addi %multiple_of3A_530, %add3A_440 : i32
          %swap3A_532 = arith.index_cast %add3A_531 : i32 to index
          %swap3A_533 = arith.constant 0 : index
          %swap3A_534 = tpu.vector_load %arg17[%swap3A_532, %swap3A_533] {strides = array<i32>} : memref<512x16xf32, #tpu.memory_space<vmem>>, vector<1x16xf32>,
          %swap3A_535 = vector.shape_cast %swap3A_534 : vector<1x16xf32> to vector<16xf32>
          %swap3A_536 = vector.shape_cast %add3A_527 : vector<16xf32> to vector<1x16xf32>
          tpu.vector_store %arg17[%swap3A_532, %swap3A_533], %swap3A_536 {strides = array<i32>} : memref<512x16xf32, #tpu.memory_space<vmem>>, vector<1x16xf32>,
          %scan3A_537 = arith.constant 0 : i32
          scf.yield %scan3A_537 : i32
        }
        %scan3A_289 = arith.constant 16 : i32
        %mul3A_290 = arith.constant 32 : i32
        %mul3A_291 = arith.muli %add3A_238, %mul3A_290 : i32
        %multiple_of3A_292 = tpu.assume_multiple %mul3A_291, 32 : i32
        %add3A_293 = arith.addi %mul3A_2, %multiple_of3A_292 : i32
        %dma_wait3A_294 = arith.constant 0 : i32
        %dma_wait3A_295 = tpu.memref_slice %arg10[%add3A_293, %dma_wait3A_294] : memref<16384x128xf32, #tpu.memory_space<hbm>> -> memref<32x128xf32, #tpu.memory_space<hbm>>
        %dma_wait3A_296 = arith.constant 0 : i32
        %dma_wait3A_297 = tpu.memref_slice %arg10[%add3A_293, %dma_wait3A_296] : memref<16384x128xf32, #tpu.memory_space<hbm>> -> memref<32x128xf32, #tpu.memory_space<hbm>>
        tpu.wait_dma2 semaphore(%arg35 : memref<!tpu.dma_semaphore, #tpu.memory_space<semaphore_mem>>) src(%arg23 : memref<32x128xf32, #tpu.memory_space<vmem>>) dst(%dma_wait3A_297 : memref<32x128xf32, #tpu.memory_space<hbm>>)
        %mul3A_298 = arith.constant 32 : i32
        %mul3A_299 = arith.muli %add3A_238, %mul3A_298 : i32
        %multiple_of3A_300 = tpu.assume_multiple %mul3A_299, 32 : i32
        %add3A_301 = arith.addi %mul3A_2, %multiple_of3A_300 : i32
        %dma_wait3A_302 = arith.constant 0 : i32
        %dma_wait3A_303 = tpu.memref_slice %arg11[%add3A_301, %dma_wait3A_302] : memref<16384x128xf32, #tpu.memory_space<hbm>> -> memref<32x128xf32, #tpu.memory_space<hbm>>
        %dma_wait3A_304 = arith.constant 0 : i32
        %dma_wait3A_305 = tpu.memref_slice %arg11[%add3A_301, %dma_wait3A_304] : memref<16384x128xf32, #tpu.memory_space<hbm>> -> memref<32x128xf32, #tpu.memory_space<hbm>>
        tpu.wait_dma2 semaphore(%arg37 : memref<!tpu.dma_semaphore, #tpu.memory_space<semaphore_mem>>) src(%arg25 : memref<32x128xf32, #tpu.memory_space<vmem>>) dst(%dma_wait3A_305 : memref<32x128xf32, #tpu.memory_space<hbm>>)
        %add3A_306 = arith.constant 2 : i32
        %add3A_307 = arith.addi %add3A_238, %add3A_306 : i32
        %mul3A_308 = arith.constant 32 : i32
        %mul3A_309 = arith.muli %add3A_307, %mul3A_308 : i32
        %multiple_of3A_310 = tpu.assume_multiple %mul3A_309, 32 : i32
        %dma_start3A_311 = tpu.memref_slice %arg14[%multiple_of3A_310] : memref<512xi32, #tpu.memory_space<vmem>> -> memref<32xi32, #tpu.memory_space<vmem>>
        %dma_start3A_312 = arith.constant 0 : i32
        %dma_start3A_313 = arith.constant 0 : i32
        %dma_start3A_314 = tpu.memref_slice %arg5[%dma_start3A_312, %dma_start3A_313] : memref<1000000x128xf32, #tpu.memory_space<hbm>> -> memref<1000000x128xf32, #tpu.memory_space<hbm>>
        tpu.enqueue_indirect_dma source(%dma_start3A_314 : memref<1000000x128xf32, #tpu.memory_space<hbm>>) target(%arg19 : memref<32x128xf32, #tpu.memory_space<vmem>>) offsets(%dma_start3A_311 : memref<32xi32, #tpu.memory_space<vmem>>) semaphore(%arg27 : memref<!tpu.dma_semaphore, #tpu.memory_space<semaphore_mem>>)
        %mul3A_315 = arith.constant 32 : i32
        %mul3A_316 = arith.muli %add3A_307, %mul3A_315 : i32
        %multiple_of3A_317 = tpu.assume_multiple %mul3A_316, 32 : i32
        %dma_start3A_318 = tpu.memref_slice %arg15[%multiple_of3A_317] : memref<512xi32, #tpu.memory_space<vmem>> -> memref<32xi32, #tpu.memory_space<vmem>>
        %dma_start3A_319 = arith.constant 0 : i32
        %dma_start3A_320 = arith.constant 0 : i32
        %dma_start3A_321 = tpu.memref_slice %arg6[%dma_start3A_319, %dma_start3A_320] : memref<1000000x128xf32, #tpu.memory_space<hbm>> -> memref<1000000x128xf32, #tpu.memory_space<hbm>>
        tpu.enqueue_indirect_dma source(%dma_start3A_321 : memref<1000000x128xf32, #tpu.memory_space<hbm>>) target(%arg21 : memref<32x128xf32, #tpu.memory_space<vmem>>) offsets(%dma_start3A_318 : memref<32xi32, #tpu.memory_space<vmem>>) semaphore(%arg29 : memref<!tpu.dma_semaphore, #tpu.memory_space<semaphore_mem>>)
        %mul3A_322 = arith.constant 32 : i32
        %mul3A_323 = arith.muli %add3A_307, %mul3A_322 : i32
        %multiple_of3A_324 = tpu.assume_multiple %mul3A_323, 32 : i32
        %dma_start3A_325 = tpu.memref_slice %arg14[%multiple_of3A_324] : memref<512xi32, #tpu.memory_space<vmem>> -> memref<32xi32, #tpu.memory_space<vmem>>
        %dma_start3A_326 = arith.constant 0 : i32
        %dma_start3A_327 = arith.constant 0 : i32
        %dma_start3A_328 = tpu.memref_slice %arg7[%dma_start3A_326, %dma_start3A_327] : memref<1000000x128xf32, #tpu.memory_space<hbm>> -> memref<1000000x128xf32, #tpu.memory_space<hbm>>
        tpu.enqueue_indirect_dma source(%dma_start3A_328 : memref<1000000x128xf32, #tpu.memory_space<hbm>>) target(%arg23 : memref<32x128xf32, #tpu.memory_space<vmem>>) offsets(%dma_start3A_325 : memref<32xi32, #tpu.memory_space<vmem>>) semaphore(%arg31 : memref<!tpu.dma_semaphore, #tpu.memory_space<semaphore_mem>>)
        %mul3A_329 = arith.constant 32 : i32
        %mul3A_330 = arith.muli %add3A_307, %mul3A_329 : i32
        %multiple_of3A_331 = tpu.assume_multiple %mul3A_330, 32 : i32
        %dma_start3A_332 = tpu.memref_slice %arg15[%multiple_of3A_331] : memref<512xi32, #tpu.memory_space<vmem>> -> memref<32xi32, #tpu.memory_space<vmem>>
        %dma_start3A_333 = arith.constant 0 : i32
        %dma_start3A_334 = arith.constant 0 : i32
        %dma_start3A_335 = tpu.memref_slice %arg8[%dma_start3A_333, %dma_start3A_334] : memref<1000000x128xf32, #tpu.memory_space<hbm>> -> memref<1000000x128xf32, #tpu.memory_space<hbm>>
        tpu.enqueue_indirect_dma source(%dma_start3A_335 : memref<1000000x128xf32, #tpu.memory_space<hbm>>) target(%arg25 : memref<32x128xf32, #tpu.memory_space<vmem>>) offsets(%dma_start3A_332 : memref<32xi32, #tpu.memory_space<vmem>>) semaphore(%arg33 : memref<!tpu.dma_semaphore, #tpu.memory_space<semaphore_mem>>)
      } else {
      }
      %eq3A = arith.constant 7 : i32
      %eq3A_133 = arith.cmpi eq, %scan3A_127, %eq3A : i32
      %convert_element_type3A_134 = arith.extui %eq3A_133 : i1 to i32
      %cond3A_135 = arith.constant 0 : i32
      %cond3A_136 = arith.cmpi ne, %convert_element_type3A_134, %cond3A_135 : i32
      scf.if %cond3A_136 {
        %mul3A_138 = arith.constant 32 : i32
        %mul3A_139 = arith.muli %mul3A_130, %mul3A_138 : i32
        %multiple_of3A_140 = tpu.assume_multiple %mul3A_139, 32 : i32
        %dma_wait3A_141 = tpu.memref_slice %arg14[%multiple_of3A_140] : memref<512xi32, #tpu.memory_space<vmem>> -> memref<32xi32, #tpu.memory_space<vmem>>
        %dma_wait3A_142 = arith.constant 0 : i32
        %dma_wait3A_143 = arith.constant 0 : i32
        %dma_wait3A_144 = tpu.memref_slice %arg7[%dma_wait3A_142, %dma_wait3A_143] : memref<1000000x128xf32, #tpu.memory_space<hbm>> -> memref<1000000x128xf32, #tpu.memory_space<hbm>>
        tpu.wait_indirect_dma semaphore(%arg30 : memref<!tpu.dma_semaphore, #tpu.memory_space<semaphore_mem>>) src(%dma_wait3A_144 : memref<1000000x128xf32, #tpu.memory_space<hbm>>) dst(%arg22 : memref<32x128xf32, #tpu.memory_space<vmem>>)
        %mul3A_145 = arith.constant 32 : i32
        %mul3A_146 = arith.muli %mul3A_130, %mul3A_145 : i32
        %multiple_of3A_147 = tpu.assume_multiple %mul3A_146, 32 : i32
        %dma_wait3A_148 = tpu.memref_slice %arg15[%multiple_of3A_147] : memref<512xi32, #tpu.memory_space<vmem>> -> memref<32xi32, #tpu.memory_space<vmem>>
        %dma_wait3A_149 = arith.constant 0 : i32
        %dma_wait3A_150 = arith.constant 0 : i32
        %dma_wait3A_151 = tpu.memref_slice %arg8[%dma_wait3A_149, %dma_wait3A_150] : memref<1000000x128xf32, #tpu.memory_space<hbm>> -> memref<1000000x128xf32, #tpu.memory_space<hbm>>
        tpu.wait_indirect_dma semaphore(%arg32 : memref<!tpu.dma_semaphore, #tpu.memory_space<semaphore_mem>>) src(%dma_wait3A_151 : memref<1000000x128xf32, #tpu.memory_space<hbm>>) dst(%arg24 : memref<32x128xf32, #tpu.memory_space<vmem>>)
        %mul3A_152 = arith.constant 32 : i32
        %mul3A_153 = arith.muli %mul3A_130, %mul3A_152 : i32
        %multiple_of3A_154 = tpu.assume_multiple %mul3A_153, 32 : i32
        %add3A_155 = arith.addi %mul3A_2, %multiple_of3A_154 : i32
        %dma_start3A_156 = arith.constant 0 : i32
        %dma_start3A_157 = tpu.memref_slice %arg10[%add3A_155, %dma_start3A_156] : memref<16384x128xf32, #tpu.memory_space<hbm>> -> memref<32x128xf32, #tpu.memory_space<hbm>>
        %dma_start3A_158 = arith.constant 0 : i32
        %dma_start3A_159 = tpu.memref_slice %arg10[%add3A_155, %dma_start3A_158] : memref<16384x128xf32, #tpu.memory_space<hbm>> -> memref<32x128xf32, #tpu.memory_space<hbm>>
        tpu.enqueue_dma source(%arg22 : memref<32x128xf32, #tpu.memory_space<vmem>>) target(%dma_start3A_159 : memref<32x128xf32, #tpu.memory_space<hbm>>) target_semaphore(%arg34 : memref<!tpu.dma_semaphore, #tpu.memory_space<semaphore_mem>>)
        %mul3A_160 = arith.constant 32 : i32
        %mul3A_161 = arith.muli %mul3A_130, %mul3A_160 : i32
        %multiple_of3A_162 = tpu.assume_multiple %mul3A_161, 32 : i32
        %add3A_163 = arith.addi %mul3A_2, %multiple_of3A_162 : i32
        %dma_start3A_164 = arith.constant 0 : i32
        %dma_start3A_165 = tpu.memref_slice %arg11[%add3A_163, %dma_start3A_164] : memref<16384x128xf32, #tpu.memory_space<hbm>> -> memref<32x128xf32, #tpu.memory_space<hbm>>
        %dma_start3A_166 = arith.constant 0 : i32
        %dma_start3A_167 = tpu.memref_slice %arg11[%add3A_163, %dma_start3A_166] : memref<16384x128xf32, #tpu.memory_space<hbm>> -> memref<32x128xf32, #tpu.memory_space<hbm>>
        tpu.enqueue_dma source(%arg24 : memref<32x128xf32, #tpu.memory_space<vmem>>) target(%dma_start3A_167 : memref<32x128xf32, #tpu.memory_space<hbm>>) target_semaphore(%arg36 : memref<!tpu.dma_semaphore, #tpu.memory_space<semaphore_mem>>)
        %mul3A_168 = arith.constant 32 : i32
        %mul3A_169 = arith.muli %mul3A_130, %mul3A_168 : i32
        %multiple_of3A_170 = tpu.assume_multiple %mul3A_169, 32 : i32
        %dma_wait3A_171 = tpu.memref_slice %arg14[%multiple_of3A_170] : memref<512xi32, #tpu.memory_space<vmem>> -> memref<32xi32, #tpu.memory_space<vmem>>
        %dma_wait3A_172 = arith.constant 0 : i32
        %dma_wait3A_173 = arith.constant 0 : i32
        %dma_wait3A_174 = tpu.memref_slice %arg5[%dma_wait3A_172, %dma_wait3A_173] : memref<1000000x128xf32, #tpu.memory_space<hbm>> -> memref<1000000x128xf32, #tpu.memory_space<hbm>>
        tpu.wait_indirect_dma semaphore(%arg26 : memref<!tpu.dma_semaphore, #tpu.memory_space<semaphore_mem>>) src(%dma_wait3A_174 : memref<1000000x128xf32, #tpu.memory_space<hbm>>) dst(%arg18 : memref<32x128xf32, #tpu.memory_space<vmem>>)
        %mul3A_175 = arith.constant 32 : i32
        %mul3A_176 = arith.muli %mul3A_130, %mul3A_175 : i32
        %multiple_of3A_177 = tpu.assume_multiple %mul3A_176, 32 : i32
        %dma_wait3A_178 = tpu.memref_slice %arg15[%multiple_of3A_177] : memref<512xi32, #tpu.memory_space<vmem>> -> memref<32xi32, #tpu.memory_space<vmem>>
        %dma_wait3A_179 = arith.constant 0 : i32
        %dma_wait3A_180 = arith.constant 0 : i32
        %dma_wait3A_181 = tpu.memref_slice %arg6[%dma_wait3A_179, %dma_wait3A_180] : memref<1000000x128xf32, #tpu.memory_space<hbm>> -> memref<1000000x128xf32, #tpu.memory_space<hbm>>
        tpu.wait_indirect_dma semaphore(%arg28 : memref<!tpu.dma_semaphore, #tpu.memory_space<semaphore_mem>>) src(%dma_wait3A_181 : memref<1000000x128xf32, #tpu.memory_space<hbm>>) dst(%arg20 : memref<32x128xf32, #tpu.memory_space<vmem>>)
        %scan3A_182 = arith.constant 0 : i32
        %scan3A_183 = arith.constant 0 : i32
        %scan3A_184 = arith.constant 16 : i32
        %scan3A_185 = arith.addi %scan3A_183, %scan3A_184 : i32
        %scan3A_186 = arith.constant 1 : i32
        %scan3A_187 = scf.for %scan3A_242 = %scan3A_183 to %scan3A_185 step %scan3A_186 iter_args(%scan3A_243 = %scan3A_182) -> (i32)  : i32 {
          %mul3A_244 = arith.constant 2 : i32
          %mul3A_245 = arith.muli %scan3A_242, %mul3A_244 : i32
          %add3A_246 = arith.constant 0 : i32
          %add3A_247 = arith.addi %mul3A_245, %add3A_246 : i32
          %get3A_248 = arith.index_cast %add3A_247 : i32 to index
          %get3A_249 = arith.constant 0 : index
          %get3A_250 = tpu.vector_load %arg18[%get3A_248, %get3A_249] {strides = array<i32>} : memref<32x128xf32, #tpu.memory_space<vmem>>, vector<1x16xf32>,
          %get3A_251 = vector.shape_cast %get3A_250 : vector<1x16xf32> to vector<16xf32>
          %get3A_252 = arith.index_cast %add3A_247 : i32 to index
          %get3A_253 = arith.constant 0 : index
          %get3A_254 = tpu.vector_load %arg20[%get3A_252, %get3A_253] {strides = array<i32>} : memref<32x128xf32, #tpu.memory_space<vmem>>, vector<1x16xf32>,
          %get3A_255 = vector.shape_cast %get3A_254 : vector<1x16xf32> to vector<16xf32>
          %mul3A_256 = arith.mulf %get3A_251, %get3A_255 : vector<16xf32>
          %mul3A_257 = arith.mulf %mul3A_256, %get3A_11 : vector<16xf32>
          %get3A_258 = arith.index_cast %add3A_247 : i32 to index
          %get3A_259 = arith.constant 16 : index
          %get3A_260 = tpu.vector_load %arg18[%get3A_258, %get3A_259] {strides = array<i32>} : memref<32x128xf32, #tpu.memory_space<vmem>>, vector<1x16xf32>,
          %get3A_261 = vector.shape_cast %get3A_260 : vector<1x16xf32> to vector<16xf32>
          %get3A_262 = arith.index_cast %add3A_247 : i32 to index
          %get3A_263 = arith.constant 16 : index
          %get3A_264 = tpu.vector_load %arg20[%get3A_262, %get3A_263] {strides = array<i32>} : memref<32x128xf32, #tpu.memory_space<vmem>>, vector<1x16xf32>,
          %get3A_265 = vector.shape_cast %get3A_264 : vector<1x16xf32> to vector<16xf32>
          %mul3A_266 = arith.mulf %get3A_261, %get3A_265 : vector<16xf32>
          %mul3A_267 = arith.mulf %mul3A_266, %get3A_16 : vector<16xf32>
          %add3A_268 = arith.addf %mul3A_257, %mul3A_267 : vector<16xf32>
          %get3A_269 = arith.index_cast %add3A_247 : i32 to index
          %get3A_270 = arith.constant 32 : index
          %get3A_271 = tpu.vector_load %arg18[%get3A_269, %get3A_270] {strides = array<i32>} : memref<32x128xf32, #tpu.memory_space<vmem>>, vector<1x16xf32>,
          %get3A_272 = vector.shape_cast %get3A_271 : vector<1x16xf32> to vector<16xf32>
          %get3A_273 = arith.index_cast %add3A_247 : i32 to index
          %get3A_274 = arith.constant 32 : index
          %get3A_275 = tpu.vector_load %arg20[%get3A_273, %get3A_274] {strides = array<i32>} : memref<32x128xf32, #tpu.memory_space<vmem>>, vector<1x16xf32>,
          %get3A_276 = vector.shape_cast %get3A_275 : vector<1x16xf32> to vector<16xf32>
          %mul3A_277 = arith.mulf %get3A_272, %get3A_276 : vector<16xf32>
          %mul3A_278 = arith.mulf %mul3A_277, %get3A_21 : vector<16xf32>
          %add3A_279 = arith.addf %add3A_268, %mul3A_278 : vector<16xf32>
          %get3A_280 = arith.index_cast %add3A_247 : i32 to index
          %get3A_281 = arith.constant 48 : index
          %get3A_282 = tpu.vector_load %arg18[%get3A_280, %get3A_281] {strides = array<i32>} : memref<32x128xf32, #tpu.memory_space<vmem>>, vector<1x16xf32>,
          %get3A_283 = vector.shape_cast %get3A_282 : vector<1x16xf32> to vector<16xf32>
          %get3A_284 = arith.index_cast %add3A_247 : i32 to index
          %get3A_285 = arith.constant 48 : index
          %get3A_286 = tpu.vector_load %arg20[%get3A_284, %get3A_285] {strides = array<i32>} : memref<32x128xf32, #tpu.memory_space<vmem>>, vector<1x16xf32>,
          %get3A_287 = vector.shape_cast %get3A_286 : vector<1x16xf32> to vector<16xf32>
          %mul3A_288 = arith.mulf %get3A_283, %get3A_287 : vector<16xf32>
          %mul3A_289 = arith.mulf %mul3A_288, %get3A_26 : vector<16xf32>
          %add3A_290 = arith.addf %add3A_279, %mul3A_289 : vector<16xf32>
          %get3A_291 = arith.index_cast %add3A_247 : i32 to index
          %get3A_292 = arith.constant 64 : index
          %get3A_293 = tpu.vector_load %arg18[%get3A_291, %get3A_292] {strides = array<i32>} : memref<32x128xf32, #tpu.memory_space<vmem>>, vector<1x16xf32>,
          %get3A_294 = vector.shape_cast %get3A_293 : vector<1x16xf32> to vector<16xf32>
          %get3A_295 = arith.index_cast %add3A_247 : i32 to index
          %get3A_296 = arith.constant 64 : index
          %get3A_297 = tpu.vector_load %arg20[%get3A_295, %get3A_296] {strides = array<i32>} : memref<32x128xf32, #tpu.memory_space<vmem>>, vector<1x16xf32>,
          %get3A_298 = vector.shape_cast %get3A_297 : vector<1x16xf32> to vector<16xf32>
          %mul3A_299 = arith.mulf %get3A_294, %get3A_298 : vector<16xf32>
          %mul3A_300 = arith.mulf %mul3A_299, %get3A_31 : vector<16xf32>
          %add3A_301 = arith.addf %add3A_290, %mul3A_300 : vector<16xf32>
          %get3A_302 = arith.index_cast %add3A_247 : i32 to index
          %get3A_303 = arith.constant 80 : index
          %get3A_304 = tpu.vector_load %arg18[%get3A_302, %get3A_303] {strides = array<i32>} : memref<32x128xf32, #tpu.memory_space<vmem>>, vector<1x16xf32>,
          %get3A_305 = vector.shape_cast %get3A_304 : vector<1x16xf32> to vector<16xf32>
          %get3A_306 = arith.index_cast %add3A_247 : i32 to index
          %get3A_307 = arith.constant 80 : index
          %get3A_308 = tpu.vector_load %arg20[%get3A_306, %get3A_307] {strides = array<i32>} : memref<32x128xf32, #tpu.memory_space<vmem>>, vector<1x16xf32>,
          %get3A_309 = vector.shape_cast %get3A_308 : vector<1x16xf32> to vector<16xf32>
          %mul3A_310 = arith.mulf %get3A_305, %get3A_309 : vector<16xf32>
          %mul3A_311 = arith.mulf %mul3A_310, %get3A_36 : vector<16xf32>
          %add3A_312 = arith.addf %add3A_301, %mul3A_311 : vector<16xf32>
          %get3A_313 = arith.index_cast %add3A_247 : i32 to index
          %get3A_314 = arith.constant 96 : index
          %get3A_315 = tpu.vector_load %arg18[%get3A_313, %get3A_314] {strides = array<i32>} : memref<32x128xf32, #tpu.memory_space<vmem>>, vector<1x16xf32>,
          %get3A_316 = vector.shape_cast %get3A_315 : vector<1x16xf32> to vector<16xf32>
          %get3A_317 = arith.index_cast %add3A_247 : i32 to index
          %get3A_318 = arith.constant 96 : index
          %get3A_319 = tpu.vector_load %arg20[%get3A_317, %get3A_318] {strides = array<i32>} : memref<32x128xf32, #tpu.memory_space<vmem>>, vector<1x16xf32>,
          %get3A_320 = vector.shape_cast %get3A_319 : vector<1x16xf32> to vector<16xf32>
          %mul3A_321 = arith.mulf %get3A_316, %get3A_320 : vector<16xf32>
          %mul3A_322 = arith.mulf %mul3A_321, %get3A_41 : vector<16xf32>
          %add3A_323 = arith.addf %add3A_312, %mul3A_322 : vector<16xf32>
          %get3A_324 = arith.index_cast %add3A_247 : i32 to index
          %get3A_325 = arith.constant 112 : index
          %get3A_326 = tpu.vector_load %arg18[%get3A_324, %get3A_325] {strides = array<i32>} : memref<32x128xf32, #tpu.memory_space<vmem>>, vector<1x16xf32>,
          %get3A_327 = vector.shape_cast %get3A_326 : vector<1x16xf32> to vector<16xf32>
          %get3A_328 = arith.index_cast %add3A_247 : i32 to index
          %get3A_329 = arith.constant 112 : index
          %get3A_330 = tpu.vector_load %arg20[%get3A_328, %get3A_329] {strides = array<i32>} : memref<32x128xf32, #tpu.memory_space<vmem>>, vector<1x16xf32>,
          %get3A_331 = vector.shape_cast %get3A_330 : vector<1x16xf32> to vector<16xf32>
          %mul3A_332 = arith.mulf %get3A_327, %get3A_331 : vector<16xf32>
          %mul3A_333 = arith.mulf %mul3A_332, %get3A_46 : vector<16xf32>
          %add3A_334 = arith.addf %add3A_323, %mul3A_333 : vector<16xf32>
          %mul3A_335 = arith.constant 32 : i32
          %mul3A_336 = arith.muli %mul3A_130, %mul3A_335 : i32
          %multiple_of3A_337 = tpu.assume_multiple %mul3A_336, 32 : i32
          %add3A_338 = arith.addi %multiple_of3A_337, %add3A_247 : i32
          %swap3A = arith.index_cast %add3A_338 : i32 to index
          %swap3A_339 = arith.constant 0 : index
          %swap3A_340 = tpu.vector_load %arg17[%swap3A, %swap3A_339] {strides = array<i32>} : memref<512x16xf32, #tpu.memory_space<vmem>>, vector<1x16xf32>,
          %swap3A_341 = vector.shape_cast %swap3A_340 : vector<1x16xf32> to vector<16xf32>
          %swap3A_342 = vector.shape_cast %add3A_334 : vector<16xf32> to vector<1x16xf32>
          tpu.vector_store %arg17[%swap3A, %swap3A_339], %swap3A_342 {strides = array<i32>} : memref<512x16xf32, #tpu.memory_space<vmem>>, vector<1x16xf32>,
          %mul3A_343 = arith.constant 2 : i32
          %mul3A_344 = arith.muli %scan3A_242, %mul3A_343 : i32
          %add3A_345 = arith.constant 1 : i32
          %add3A_346 = arith.addi %mul3A_344, %add3A_345 : i32
          %get3A_347 = arith.index_cast %add3A_346 : i32 to index
          %get3A_348 = arith.constant 0 : index
          %get3A_349 = tpu.vector_load %arg18[%get3A_347, %get3A_348] {strides = array<i32>} : memref<32x128xf32, #tpu.memory_space<vmem>>, vector<1x16xf32>,
          %get3A_350 = vector.shape_cast %get3A_349 : vector<1x16xf32> to vector<16xf32>
          %get3A_351 = arith.index_cast %add3A_346 : i32 to index
          %get3A_352 = arith.constant 0 : index
          %get3A_353 = tpu.vector_load %arg20[%get3A_351, %get3A_352] {strides = array<i32>} : memref<32x128xf32, #tpu.memory_space<vmem>>, vector<1x16xf32>,
          %get3A_354 = vector.shape_cast %get3A_353 : vector<1x16xf32> to vector<16xf32>
          %mul3A_355 = arith.mulf %get3A_350, %get3A_354 : vector<16xf32>
          %mul3A_356 = arith.mulf %mul3A_355, %get3A_11 : vector<16xf32>
          %get3A_357 = arith.index_cast %add3A_346 : i32 to index
          %get3A_358 = arith.constant 16 : index
          %get3A_359 = tpu.vector_load %arg18[%get3A_357, %get3A_358] {strides = array<i32>} : memref<32x128xf32, #tpu.memory_space<vmem>>, vector<1x16xf32>,
          %get3A_360 = vector.shape_cast %get3A_359 : vector<1x16xf32> to vector<16xf32>
          %get3A_361 = arith.index_cast %add3A_346 : i32 to index
          %get3A_362 = arith.constant 16 : index
          %get3A_363 = tpu.vector_load %arg20[%get3A_361, %get3A_362] {strides = array<i32>} : memref<32x128xf32, #tpu.memory_space<vmem>>, vector<1x16xf32>,
          %get3A_364 = vector.shape_cast %get3A_363 : vector<1x16xf32> to vector<16xf32>
          %mul3A_365 = arith.mulf %get3A_360, %get3A_364 : vector<16xf32>
          %mul3A_366 = arith.mulf %mul3A_365, %get3A_16 : vector<16xf32>
          %add3A_367 = arith.addf %mul3A_356, %mul3A_366 : vector<16xf32>
          %get3A_368 = arith.index_cast %add3A_346 : i32 to index
          %get3A_369 = arith.constant 32 : index
          %get3A_370 = tpu.vector_load %arg18[%get3A_368, %get3A_369] {strides = array<i32>} : memref<32x128xf32, #tpu.memory_space<vmem>>, vector<1x16xf32>,
          %get3A_371 = vector.shape_cast %get3A_370 : vector<1x16xf32> to vector<16xf32>
          %get3A_372 = arith.index_cast %add3A_346 : i32 to index
          %get3A_373 = arith.constant 32 : index
          %get3A_374 = tpu.vector_load %arg20[%get3A_372, %get3A_373] {strides = array<i32>} : memref<32x128xf32, #tpu.memory_space<vmem>>, vector<1x16xf32>,
          %get3A_375 = vector.shape_cast %get3A_374 : vector<1x16xf32> to vector<16xf32>
          %mul3A_376 = arith.mulf %get3A_371, %get3A_375 : vector<16xf32>
          %mul3A_377 = arith.mulf %mul3A_376, %get3A_21 : vector<16xf32>
          %add3A_378 = arith.addf %add3A_367, %mul3A_377 : vector<16xf32>
          %get3A_379 = arith.index_cast %add3A_346 : i32 to index
          %get3A_380 = arith.constant 48 : index
          %get3A_381 = tpu.vector_load %arg18[%get3A_379, %get3A_380] {strides = array<i32>} : memref<32x128xf32, #tpu.memory_space<vmem>>, vector<1x16xf32>,
          %get3A_382 = vector.shape_cast %get3A_381 : vector<1x16xf32> to vector<16xf32>
          %get3A_383 = arith.index_cast %add3A_346 : i32 to index
          %get3A_384 = arith.constant 48 : index
          %get3A_385 = tpu.vector_load %arg20[%get3A_383, %get3A_384] {strides = array<i32>} : memref<32x128xf32, #tpu.memory_space<vmem>>, vector<1x16xf32>,
          %get3A_386 = vector.shape_cast %get3A_385 : vector<1x16xf32> to vector<16xf32>
          %mul3A_387 = arith.mulf %get3A_382, %get3A_386 : vector<16xf32>
          %mul3A_388 = arith.mulf %mul3A_387, %get3A_26 : vector<16xf32>
          %add3A_389 = arith.addf %add3A_378, %mul3A_388 : vector<16xf32>
          %get3A_390 = arith.index_cast %add3A_346 : i32 to index
          %get3A_391 = arith.constant 64 : index
          %get3A_392 = tpu.vector_load %arg18[%get3A_390, %get3A_391] {strides = array<i32>} : memref<32x128xf32, #tpu.memory_space<vmem>>, vector<1x16xf32>,
          %get3A_393 = vector.shape_cast %get3A_392 : vector<1x16xf32> to vector<16xf32>
          %get3A_394 = arith.index_cast %add3A_346 : i32 to index
          %get3A_395 = arith.constant 64 : index
          %get3A_396 = tpu.vector_load %arg20[%get3A_394, %get3A_395] {strides = array<i32>} : memref<32x128xf32, #tpu.memory_space<vmem>>, vector<1x16xf32>,
          %get3A_397 = vector.shape_cast %get3A_396 : vector<1x16xf32> to vector<16xf32>
          %mul3A_398 = arith.mulf %get3A_393, %get3A_397 : vector<16xf32>
          %mul3A_399 = arith.mulf %mul3A_398, %get3A_31 : vector<16xf32>
          %add3A_400 = arith.addf %add3A_389, %mul3A_399 : vector<16xf32>
          %get3A_401 = arith.index_cast %add3A_346 : i32 to index
          %get3A_402 = arith.constant 80 : index
          %get3A_403 = tpu.vector_load %arg18[%get3A_401, %get3A_402] {strides = array<i32>} : memref<32x128xf32, #tpu.memory_space<vmem>>, vector<1x16xf32>,
          %get3A_404 = vector.shape_cast %get3A_403 : vector<1x16xf32> to vector<16xf32>
          %get3A_405 = arith.index_cast %add3A_346 : i32 to index
          %get3A_406 = arith.constant 80 : index
          %get3A_407 = tpu.vector_load %arg20[%get3A_405, %get3A_406] {strides = array<i32>} : memref<32x128xf32, #tpu.memory_space<vmem>>, vector<1x16xf32>,
          %get3A_408 = vector.shape_cast %get3A_407 : vector<1x16xf32> to vector<16xf32>
          %mul3A_409 = arith.mulf %get3A_404, %get3A_408 : vector<16xf32>
          %mul3A_410 = arith.mulf %mul3A_409, %get3A_36 : vector<16xf32>
          %add3A_411 = arith.addf %add3A_400, %mul3A_410 : vector<16xf32>
          %get3A_412 = arith.index_cast %add3A_346 : i32 to index
          %get3A_413 = arith.constant 96 : index
          %get3A_414 = tpu.vector_load %arg18[%get3A_412, %get3A_413] {strides = array<i32>} : memref<32x128xf32, #tpu.memory_space<vmem>>, vector<1x16xf32>,
          %get3A_415 = vector.shape_cast %get3A_414 : vector<1x16xf32> to vector<16xf32>
          %get3A_416 = arith.index_cast %add3A_346 : i32 to index
          %get3A_417 = arith.constant 96 : index
          %get3A_418 = tpu.vector_load %arg20[%get3A_416, %get3A_417] {strides = array<i32>} : memref<32x128xf32, #tpu.memory_space<vmem>>, vector<1x16xf32>,
          %get3A_419 = vector.shape_cast %get3A_418 : vector<1x16xf32> to vector<16xf32>
          %mul3A_420 = arith.mulf %get3A_415, %get3A_419 : vector<16xf32>
          %mul3A_421 = arith.mulf %mul3A_420, %get3A_41 : vector<16xf32>
          %add3A_422 = arith.addf %add3A_411, %mul3A_421 : vector<16xf32>
          %get3A_423 = arith.index_cast %add3A_346 : i32 to index
          %get3A_424 = arith.constant 112 : index
          %get3A_425 = tpu.vector_load %arg18[%get3A_423, %get3A_424] {strides = array<i32>} : memref<32x128xf32, #tpu.memory_space<vmem>>, vector<1x16xf32>,
          %get3A_426 = vector.shape_cast %get3A_425 : vector<1x16xf32> to vector<16xf32>
          %get3A_427 = arith.index_cast %add3A_346 : i32 to index
          %get3A_428 = arith.constant 112 : index
          %get3A_429 = tpu.vector_load %arg20[%get3A_427, %get3A_428] {strides = array<i32>} : memref<32x128xf32, #tpu.memory_space<vmem>>, vector<1x16xf32>,
          %get3A_430 = vector.shape_cast %get3A_429 : vector<1x16xf32> to vector<16xf32>
          %mul3A_431 = arith.mulf %get3A_426, %get3A_430 : vector<16xf32>
          %mul3A_432 = arith.mulf %mul3A_431, %get3A_46 : vector<16xf32>
          %add3A_433 = arith.addf %add3A_422, %mul3A_432 : vector<16xf32>
          %mul3A_434 = arith.constant 32 : i32
          %mul3A_435 = arith.muli %mul3A_130, %mul3A_434 : i32
          %multiple_of3A_436 = tpu.assume_multiple %mul3A_435, 32 : i32
          %add3A_437 = arith.addi %multiple_of3A_436, %add3A_346 : i32
          %swap3A_438 = arith.index_cast %add3A_437 : i32 to index
          %swap3A_439 = arith.constant 0 : index
          %swap3A_440 = tpu.vector_load %arg17[%swap3A_438, %swap3A_439] {strides = array<i32>} : memref<512x16xf32, #tpu.memory_space<vmem>>, vector<1x16xf32>,
          %swap3A_441 = vector.shape_cast %swap3A_440 : vector<1x16xf32> to vector<16xf32>
          %swap3A_442 = vector.shape_cast %add3A_433 : vector<16xf32> to vector<1x16xf32>
          tpu.vector_store %arg17[%swap3A_438, %swap3A_439], %swap3A_442 {strides = array<i32>} : memref<512x16xf32, #tpu.memory_space<vmem>>, vector<1x16xf32>,
          %scan3A_443 = arith.constant 0 : i32
          scf.yield %scan3A_443 : i32
        }
        %scan3A_188 = arith.constant 16 : i32
        %add3A_189 = arith.constant 1 : i32
        %add3A_190 = arith.addi %mul3A_130, %add3A_189 : i32
        %mul3A_191 = arith.constant 32 : i32
        %mul3A_192 = arith.muli %add3A_190, %mul3A_191 : i32
        %multiple_of3A_193 = tpu.assume_multiple %mul3A_192, 32 : i32
        %dma_wait3A_194 = tpu.memref_slice %arg14[%multiple_of3A_193] : memref<512xi32, #tpu.memory_space<vmem>> -> memref<32xi32, #tpu.memory_space<vmem>>
        %dma_wait3A_195 = arith.constant 0 : i32
        %dma_wait3A_196 = arith.constant 0 : i32
        %dma_wait3A_197 = tpu.memref_slice %arg7[%dma_wait3A_195, %dma_wait3A_196] : memref<1000000x128xf32, #tpu.memory_space<hbm>> -> memref<1000000x128xf32, #tpu.memory_space<hbm>>
        tpu.wait_indirect_dma semaphore(%arg31 : memref<!tpu.dma_semaphore, #tpu.memory_space<semaphore_mem>>) src(%dma_wait3A_197 : memref<1000000x128xf32, #tpu.memory_space<hbm>>) dst(%arg23 : memref<32x128xf32, #tpu.memory_space<vmem>>)
        %mul3A_198 = arith.constant 32 : i32
        %mul3A_199 = arith.muli %add3A_190, %mul3A_198 : i32
        %multiple_of3A_200 = tpu.assume_multiple %mul3A_199, 32 : i32
        %dma_wait3A_201 = tpu.memref_slice %arg15[%multiple_of3A_200] : memref<512xi32, #tpu.memory_space<vmem>> -> memref<32xi32, #tpu.memory_space<vmem>>
        %dma_wait3A_202 = arith.constant 0 : i32
        %dma_wait3A_203 = arith.constant 0 : i32
        %dma_wait3A_204 = tpu.memref_slice %arg8[%dma_wait3A_202, %dma_wait3A_203] : memref<1000000x128xf32, #tpu.memory_space<hbm>> -> memref<1000000x128xf32, #tpu.memory_space<hbm>>
        tpu.wait_indirect_dma semaphore(%arg33 : memref<!tpu.dma_semaphore, #tpu.memory_space<semaphore_mem>>) src(%dma_wait3A_204 : memref<1000000x128xf32, #tpu.memory_space<hbm>>) dst(%arg25 : memref<32x128xf32, #tpu.memory_space<vmem>>)
        %mul3A_205 = arith.constant 32 : i32
        %mul3A_206 = arith.muli %add3A_190, %mul3A_205 : i32
        %multiple_of3A_207 = tpu.assume_multiple %mul3A_206, 32 : i32
        %add3A_208 = arith.addi %mul3A_2, %multiple_of3A_207 : i32
        %dma_start3A_209 = arith.constant 0 : i32
        %dma_start3A_210 = tpu.memref_slice %arg10[%add3A_208, %dma_start3A_209] : memref<16384x128xf32, #tpu.memory_space<hbm>> -> memref<32x128xf32, #tpu.memory_space<hbm>>
        %dma_start3A_211 = arith.constant 0 : i32
        %dma_start3A_212 = tpu.memref_slice %arg10[%add3A_208, %dma_start3A_211] : memref<16384x128xf32, #tpu.memory_space<hbm>> -> memref<32x128xf32, #tpu.memory_space<hbm>>
        tpu.enqueue_dma source(%arg23 : memref<32x128xf32, #tpu.memory_space<vmem>>) target(%dma_start3A_212 : memref<32x128xf32, #tpu.memory_space<hbm>>) target_semaphore(%arg35 : memref<!tpu.dma_semaphore, #tpu.memory_space<semaphore_mem>>)
        %mul3A_213 = arith.constant 32 : i32
        %mul3A_214 = arith.muli %add3A_190, %mul3A_213 : i32
        %multiple_of3A_215 = tpu.assume_multiple %mul3A_214, 32 : i32
        %add3A_216 = arith.addi %mul3A_2, %multiple_of3A_215 : i32
        %dma_start3A_217 = arith.constant 0 : i32
        %dma_start3A_218 = tpu.memref_slice %arg11[%add3A_216, %dma_start3A_217] : memref<16384x128xf32, #tpu.memory_space<hbm>> -> memref<32x128xf32, #tpu.memory_space<hbm>>
        %dma_start3A_219 = arith.constant 0 : i32
        %dma_start3A_220 = tpu.memref_slice %arg11[%add3A_216, %dma_start3A_219] : memref<16384x128xf32, #tpu.memory_space<hbm>> -> memref<32x128xf32, #tpu.memory_space<hbm>>
        tpu.enqueue_dma source(%arg25 : memref<32x128xf32, #tpu.memory_space<vmem>>) target(%dma_start3A_220 : memref<32x128xf32, #tpu.memory_space<hbm>>) target_semaphore(%arg37 : memref<!tpu.dma_semaphore, #tpu.memory_space<semaphore_mem>>)
        %mul3A_221 = arith.constant 32 : i32
        %mul3A_222 = arith.muli %add3A_190, %mul3A_221 : i32
        %multiple_of3A_223 = tpu.assume_multiple %mul3A_222, 32 : i32
        %dma_wait3A_224 = tpu.memref_slice %arg14[%multiple_of3A_223] : memref<512xi32, #tpu.memory_space<vmem>> -> memref<32xi32, #tpu.memory_space<vmem>>
        %dma_wait3A_225 = arith.constant 0 : i32
        %dma_wait3A_226 = arith.constant 0 : i32
        %dma_wait3A_227 = tpu.memref_slice %arg5[%dma_wait3A_225, %dma_wait3A_226] : memref<1000000x128xf32, #tpu.memory_space<hbm>> -> memref<1000000x128xf32, #tpu.memory_space<hbm>>
        tpu.wait_indirect_dma semaphore(%arg27 : memref<!tpu.dma_semaphore, #tpu.memory_space<semaphore_mem>>) src(%dma_wait3A_227 : memref<1000000x128xf32, #tpu.memory_space<hbm>>) dst(%arg19 : memref<32x128xf32, #tpu.memory_space<vmem>>)
        %mul3A_228 = arith.constant 32 : i32
        %mul3A_229 = arith.muli %add3A_190, %mul3A_228 : i32
        %multiple_of3A_230 = tpu.assume_multiple %mul3A_229, 32 : i32
        %dma_wait3A_231 = tpu.memref_slice %arg15[%multiple_of3A_230] : memref<512xi32, #tpu.memory_space<vmem>> -> memref<32xi32, #tpu.memory_space<vmem>>
        %dma_wait3A_232 = arith.constant 0 : i32
        %dma_wait3A_233 = arith.constant 0 : i32
        %dma_wait3A_234 = tpu.memref_slice %arg6[%dma_wait3A_232, %dma_wait3A_233] : memref<1000000x128xf32, #tpu.memory_space<hbm>> -> memref<1000000x128xf32, #tpu.memory_space<hbm>>
        tpu.wait_indirect_dma semaphore(%arg29 : memref<!tpu.dma_semaphore, #tpu.memory_space<semaphore_mem>>) src(%dma_wait3A_234 : memref<1000000x128xf32, #tpu.memory_space<hbm>>) dst(%arg21 : memref<32x128xf32, #tpu.memory_space<vmem>>)
        %scan3A_235 = arith.constant 0 : i32
        %scan3A_236 = arith.constant 0 : i32
        %scan3A_237 = arith.constant 16 : i32
        %scan3A_238 = arith.addi %scan3A_236, %scan3A_237 : i32
        %scan3A_239 = arith.constant 1 : i32
        %scan3A_240 = scf.for %scan3A_242 = %scan3A_236 to %scan3A_238 step %scan3A_239 iter_args(%scan3A_243 = %scan3A_235) -> (i32)  : i32 {
          %mul3A_244 = arith.constant 2 : i32
          %mul3A_245 = arith.muli %scan3A_242, %mul3A_244 : i32
          %add3A_246 = arith.constant 0 : i32
          %add3A_247 = arith.addi %mul3A_245, %add3A_246 : i32
          %get3A_248 = arith.index_cast %add3A_247 : i32 to index
          %get3A_249 = arith.constant 0 : index
          %get3A_250 = tpu.vector_load %arg19[%get3A_248, %get3A_249] {strides = array<i32>} : memref<32x128xf32, #tpu.memory_space<vmem>>, vector<1x16xf32>,
          %get3A_251 = vector.shape_cast %get3A_250 : vector<1x16xf32> to vector<16xf32>
          %get3A_252 = arith.index_cast %add3A_247 : i32 to index
          %get3A_253 = arith.constant 0 : index
          %get3A_254 = tpu.vector_load %arg21[%get3A_252, %get3A_253] {strides = array<i32>} : memref<32x128xf32, #tpu.memory_space<vmem>>, vector<1x16xf32>,
          %get3A_255 = vector.shape_cast %get3A_254 : vector<1x16xf32> to vector<16xf32>
          %mul3A_256 = arith.mulf %get3A_251, %get3A_255 : vector<16xf32>
          %mul3A_257 = arith.mulf %mul3A_256, %get3A_11 : vector<16xf32>
          %get3A_258 = arith.index_cast %add3A_247 : i32 to index
          %get3A_259 = arith.constant 16 : index
          %get3A_260 = tpu.vector_load %arg19[%get3A_258, %get3A_259] {strides = array<i32>} : memref<32x128xf32, #tpu.memory_space<vmem>>, vector<1x16xf32>,
          %get3A_261 = vector.shape_cast %get3A_260 : vector<1x16xf32> to vector<16xf32>
          %get3A_262 = arith.index_cast %add3A_247 : i32 to index
          %get3A_263 = arith.constant 16 : index
          %get3A_264 = tpu.vector_load %arg21[%get3A_262, %get3A_263] {strides = array<i32>} : memref<32x128xf32, #tpu.memory_space<vmem>>, vector<1x16xf32>,
          %get3A_265 = vector.shape_cast %get3A_264 : vector<1x16xf32> to vector<16xf32>
          %mul3A_266 = arith.mulf %get3A_261, %get3A_265 : vector<16xf32>
          %mul3A_267 = arith.mulf %mul3A_266, %get3A_16 : vector<16xf32>
          %add3A_268 = arith.addf %mul3A_257, %mul3A_267 : vector<16xf32>
          %get3A_269 = arith.index_cast %add3A_247 : i32 to index
          %get3A_270 = arith.constant 32 : index
          %get3A_271 = tpu.vector_load %arg19[%get3A_269, %get3A_270] {strides = array<i32>} : memref<32x128xf32, #tpu.memory_space<vmem>>, vector<1x16xf32>,
          %get3A_272 = vector.shape_cast %get3A_271 : vector<1x16xf32> to vector<16xf32>
          %get3A_273 = arith.index_cast %add3A_247 : i32 to index
          %get3A_274 = arith.constant 32 : index
          %get3A_275 = tpu.vector_load %arg21[%get3A_273, %get3A_274] {strides = array<i32>} : memref<32x128xf32, #tpu.memory_space<vmem>>, vector<1x16xf32>,
          %get3A_276 = vector.shape_cast %get3A_275 : vector<1x16xf32> to vector<16xf32>
          %mul3A_277 = arith.mulf %get3A_272, %get3A_276 : vector<16xf32>
          %mul3A_278 = arith.mulf %mul3A_277, %get3A_21 : vector<16xf32>
          %add3A_279 = arith.addf %add3A_268, %mul3A_278 : vector<16xf32>
          %get3A_280 = arith.index_cast %add3A_247 : i32 to index
          %get3A_281 = arith.constant 48 : index
          %get3A_282 = tpu.vector_load %arg19[%get3A_280, %get3A_281] {strides = array<i32>} : memref<32x128xf32, #tpu.memory_space<vmem>>, vector<1x16xf32>,
          %get3A_283 = vector.shape_cast %get3A_282 : vector<1x16xf32> to vector<16xf32>
          %get3A_284 = arith.index_cast %add3A_247 : i32 to index
          %get3A_285 = arith.constant 48 : index
          %get3A_286 = tpu.vector_load %arg21[%get3A_284, %get3A_285] {strides = array<i32>} : memref<32x128xf32, #tpu.memory_space<vmem>>, vector<1x16xf32>,
          %get3A_287 = vector.shape_cast %get3A_286 : vector<1x16xf32> to vector<16xf32>
          %mul3A_288 = arith.mulf %get3A_283, %get3A_287 : vector<16xf32>
          %mul3A_289 = arith.mulf %mul3A_288, %get3A_26 : vector<16xf32>
          %add3A_290 = arith.addf %add3A_279, %mul3A_289 : vector<16xf32>
          %get3A_291 = arith.index_cast %add3A_247 : i32 to index
          %get3A_292 = arith.constant 64 : index
          %get3A_293 = tpu.vector_load %arg19[%get3A_291, %get3A_292] {strides = array<i32>} : memref<32x128xf32, #tpu.memory_space<vmem>>, vector<1x16xf32>,
          %get3A_294 = vector.shape_cast %get3A_293 : vector<1x16xf32> to vector<16xf32>
          %get3A_295 = arith.index_cast %add3A_247 : i32 to index
          %get3A_296 = arith.constant 64 : index
          %get3A_297 = tpu.vector_load %arg21[%get3A_295, %get3A_296] {strides = array<i32>} : memref<32x128xf32, #tpu.memory_space<vmem>>, vector<1x16xf32>,
          %get3A_298 = vector.shape_cast %get3A_297 : vector<1x16xf32> to vector<16xf32>
          %mul3A_299 = arith.mulf %get3A_294, %get3A_298 : vector<16xf32>
          %mul3A_300 = arith.mulf %mul3A_299, %get3A_31 : vector<16xf32>
          %add3A_301 = arith.addf %add3A_290, %mul3A_300 : vector<16xf32>
          %get3A_302 = arith.index_cast %add3A_247 : i32 to index
          %get3A_303 = arith.constant 80 : index
          %get3A_304 = tpu.vector_load %arg19[%get3A_302, %get3A_303] {strides = array<i32>} : memref<32x128xf32, #tpu.memory_space<vmem>>, vector<1x16xf32>,
          %get3A_305 = vector.shape_cast %get3A_304 : vector<1x16xf32> to vector<16xf32>
          %get3A_306 = arith.index_cast %add3A_247 : i32 to index
          %get3A_307 = arith.constant 80 : index
          %get3A_308 = tpu.vector_load %arg21[%get3A_306, %get3A_307] {strides = array<i32>} : memref<32x128xf32, #tpu.memory_space<vmem>>, vector<1x16xf32>,
          %get3A_309 = vector.shape_cast %get3A_308 : vector<1x16xf32> to vector<16xf32>
          %mul3A_310 = arith.mulf %get3A_305, %get3A_309 : vector<16xf32>
          %mul3A_311 = arith.mulf %mul3A_310, %get3A_36 : vector<16xf32>
          %add3A_312 = arith.addf %add3A_301, %mul3A_311 : vector<16xf32>
          %get3A_313 = arith.index_cast %add3A_247 : i32 to index
          %get3A_314 = arith.constant 96 : index
          %get3A_315 = tpu.vector_load %arg19[%get3A_313, %get3A_314] {strides = array<i32>} : memref<32x128xf32, #tpu.memory_space<vmem>>, vector<1x16xf32>,
          %get3A_316 = vector.shape_cast %get3A_315 : vector<1x16xf32> to vector<16xf32>
          %get3A_317 = arith.index_cast %add3A_247 : i32 to index
          %get3A_318 = arith.constant 96 : index
          %get3A_319 = tpu.vector_load %arg21[%get3A_317, %get3A_318] {strides = array<i32>} : memref<32x128xf32, #tpu.memory_space<vmem>>, vector<1x16xf32>,
          %get3A_320 = vector.shape_cast %get3A_319 : vector<1x16xf32> to vector<16xf32>
          %mul3A_321 = arith.mulf %get3A_316, %get3A_320 : vector<16xf32>
          %mul3A_322 = arith.mulf %mul3A_321, %get3A_41 : vector<16xf32>
          %add3A_323 = arith.addf %add3A_312, %mul3A_322 : vector<16xf32>
          %get3A_324 = arith.index_cast %add3A_247 : i32 to index
          %get3A_325 = arith.constant 112 : index
          %get3A_326 = tpu.vector_load %arg19[%get3A_324, %get3A_325] {strides = array<i32>} : memref<32x128xf32, #tpu.memory_space<vmem>>, vector<1x16xf32>,
          %get3A_327 = vector.shape_cast %get3A_326 : vector<1x16xf32> to vector<16xf32>
          %get3A_328 = arith.index_cast %add3A_247 : i32 to index
          %get3A_329 = arith.constant 112 : index
          %get3A_330 = tpu.vector_load %arg21[%get3A_328, %get3A_329] {strides = array<i32>} : memref<32x128xf32, #tpu.memory_space<vmem>>, vector<1x16xf32>,
          %get3A_331 = vector.shape_cast %get3A_330 : vector<1x16xf32> to vector<16xf32>
          %mul3A_332 = arith.mulf %get3A_327, %get3A_331 : vector<16xf32>
          %mul3A_333 = arith.mulf %mul3A_332, %get3A_46 : vector<16xf32>
          %add3A_334 = arith.addf %add3A_323, %mul3A_333 : vector<16xf32>
          %mul3A_335 = arith.constant 32 : i32
          %mul3A_336 = arith.muli %add3A_190, %mul3A_335 : i32
          %multiple_of3A_337 = tpu.assume_multiple %mul3A_336, 32 : i32
          %add3A_338 = arith.addi %multiple_of3A_337, %add3A_247 : i32
          %swap3A = arith.index_cast %add3A_338 : i32 to index
          %swap3A_339 = arith.constant 0 : index
          %swap3A_340 = tpu.vector_load %arg17[%swap3A, %swap3A_339] {strides = array<i32>} : memref<512x16xf32, #tpu.memory_space<vmem>>, vector<1x16xf32>,
          %swap3A_341 = vector.shape_cast %swap3A_340 : vector<1x16xf32> to vector<16xf32>
          %swap3A_342 = vector.shape_cast %add3A_334 : vector<16xf32> to vector<1x16xf32>
          tpu.vector_store %arg17[%swap3A, %swap3A_339], %swap3A_342 {strides = array<i32>} : memref<512x16xf32, #tpu.memory_space<vmem>>, vector<1x16xf32>,
          %mul3A_343 = arith.constant 2 : i32
          %mul3A_344 = arith.muli %scan3A_242, %mul3A_343 : i32
          %add3A_345 = arith.constant 1 : i32
          %add3A_346 = arith.addi %mul3A_344, %add3A_345 : i32
          %get3A_347 = arith.index_cast %add3A_346 : i32 to index
          %get3A_348 = arith.constant 0 : index
          %get3A_349 = tpu.vector_load %arg19[%get3A_347, %get3A_348] {strides = array<i32>} : memref<32x128xf32, #tpu.memory_space<vmem>>, vector<1x16xf32>,
          %get3A_350 = vector.shape_cast %get3A_349 : vector<1x16xf32> to vector<16xf32>
          %get3A_351 = arith.index_cast %add3A_346 : i32 to index
          %get3A_352 = arith.constant 0 : index
          %get3A_353 = tpu.vector_load %arg21[%get3A_351, %get3A_352] {strides = array<i32>} : memref<32x128xf32, #tpu.memory_space<vmem>>, vector<1x16xf32>,
          %get3A_354 = vector.shape_cast %get3A_353 : vector<1x16xf32> to vector<16xf32>
          %mul3A_355 = arith.mulf %get3A_350, %get3A_354 : vector<16xf32>
          %mul3A_356 = arith.mulf %mul3A_355, %get3A_11 : vector<16xf32>
          %get3A_357 = arith.index_cast %add3A_346 : i32 to index
          %get3A_358 = arith.constant 16 : index
          %get3A_359 = tpu.vector_load %arg19[%get3A_357, %get3A_358] {strides = array<i32>} : memref<32x128xf32, #tpu.memory_space<vmem>>, vector<1x16xf32>,
          %get3A_360 = vector.shape_cast %get3A_359 : vector<1x16xf32> to vector<16xf32>
          %get3A_361 = arith.index_cast %add3A_346 : i32 to index
          %get3A_362 = arith.constant 16 : index
          %get3A_363 = tpu.vector_load %arg21[%get3A_361, %get3A_362] {strides = array<i32>} : memref<32x128xf32, #tpu.memory_space<vmem>>, vector<1x16xf32>,
          %get3A_364 = vector.shape_cast %get3A_363 : vector<1x16xf32> to vector<16xf32>
          %mul3A_365 = arith.mulf %get3A_360, %get3A_364 : vector<16xf32>
          %mul3A_366 = arith.mulf %mul3A_365, %get3A_16 : vector<16xf32>
          %add3A_367 = arith.addf %mul3A_356, %mul3A_366 : vector<16xf32>
          %get3A_368 = arith.index_cast %add3A_346 : i32 to index
          %get3A_369 = arith.constant 32 : index
          %get3A_370 = tpu.vector_load %arg19[%get3A_368, %get3A_369] {strides = array<i32>} : memref<32x128xf32, #tpu.memory_space<vmem>>, vector<1x16xf32>,
          %get3A_371 = vector.shape_cast %get3A_370 : vector<1x16xf32> to vector<16xf32>
          %get3A_372 = arith.index_cast %add3A_346 : i32 to index
          %get3A_373 = arith.constant 32 : index
          %get3A_374 = tpu.vector_load %arg21[%get3A_372, %get3A_373] {strides = array<i32>} : memref<32x128xf32, #tpu.memory_space<vmem>>, vector<1x16xf32>,
          %get3A_375 = vector.shape_cast %get3A_374 : vector<1x16xf32> to vector<16xf32>
          %mul3A_376 = arith.mulf %get3A_371, %get3A_375 : vector<16xf32>
          %mul3A_377 = arith.mulf %mul3A_376, %get3A_21 : vector<16xf32>
          %add3A_378 = arith.addf %add3A_367, %mul3A_377 : vector<16xf32>
          %get3A_379 = arith.index_cast %add3A_346 : i32 to index
          %get3A_380 = arith.constant 48 : index
          %get3A_381 = tpu.vector_load %arg19[%get3A_379, %get3A_380] {strides = array<i32>} : memref<32x128xf32, #tpu.memory_space<vmem>>, vector<1x16xf32>,
          %get3A_382 = vector.shape_cast %get3A_381 : vector<1x16xf32> to vector<16xf32>
          %get3A_383 = arith.index_cast %add3A_346 : i32 to index
          %get3A_384 = arith.constant 48 : index
          %get3A_385 = tpu.vector_load %arg21[%get3A_383, %get3A_384] {strides = array<i32>} : memref<32x128xf32, #tpu.memory_space<vmem>>, vector<1x16xf32>,
          %get3A_386 = vector.shape_cast %get3A_385 : vector<1x16xf32> to vector<16xf32>
          %mul3A_387 = arith.mulf %get3A_382, %get3A_386 : vector<16xf32>
          %mul3A_388 = arith.mulf %mul3A_387, %get3A_26 : vector<16xf32>
          %add3A_389 = arith.addf %add3A_378, %mul3A_388 : vector<16xf32>
          %get3A_390 = arith.index_cast %add3A_346 : i32 to index
          %get3A_391 = arith.constant 64 : index
          %get3A_392 = tpu.vector_load %arg19[%get3A_390, %get3A_391] {strides = array<i32>} : memref<32x128xf32, #tpu.memory_space<vmem>>, vector<1x16xf32>,
          %get3A_393 = vector.shape_cast %get3A_392 : vector<1x16xf32> to vector<16xf32>
          %get3A_394 = arith.index_cast %add3A_346 : i32 to index
          %get3A_395 = arith.constant 64 : index
          %get3A_396 = tpu.vector_load %arg21[%get3A_394, %get3A_395] {strides = array<i32>} : memref<32x128xf32, #tpu.memory_space<vmem>>, vector<1x16xf32>,
          %get3A_397 = vector.shape_cast %get3A_396 : vector<1x16xf32> to vector<16xf32>
          %mul3A_398 = arith.mulf %get3A_393, %get3A_397 : vector<16xf32>
          %mul3A_399 = arith.mulf %mul3A_398, %get3A_31 : vector<16xf32>
          %add3A_400 = arith.addf %add3A_389, %mul3A_399 : vector<16xf32>
          %get3A_401 = arith.index_cast %add3A_346 : i32 to index
          %get3A_402 = arith.constant 80 : index
          %get3A_403 = tpu.vector_load %arg19[%get3A_401, %get3A_402] {strides = array<i32>} : memref<32x128xf32, #tpu.memory_space<vmem>>, vector<1x16xf32>,
          %get3A_404 = vector.shape_cast %get3A_403 : vector<1x16xf32> to vector<16xf32>
          %get3A_405 = arith.index_cast %add3A_346 : i32 to index
          %get3A_406 = arith.constant 80 : index
          %get3A_407 = tpu.vector_load %arg21[%get3A_405, %get3A_406] {strides = array<i32>} : memref<32x128xf32, #tpu.memory_space<vmem>>, vector<1x16xf32>,
          %get3A_408 = vector.shape_cast %get3A_407 : vector<1x16xf32> to vector<16xf32>
          %mul3A_409 = arith.mulf %get3A_404, %get3A_408 : vector<16xf32>
          %mul3A_410 = arith.mulf %mul3A_409, %get3A_36 : vector<16xf32>
          %add3A_411 = arith.addf %add3A_400, %mul3A_410 : vector<16xf32>
          %get3A_412 = arith.index_cast %add3A_346 : i32 to index
          %get3A_413 = arith.constant 96 : index
          %get3A_414 = tpu.vector_load %arg19[%get3A_412, %get3A_413] {strides = array<i32>} : memref<32x128xf32, #tpu.memory_space<vmem>>, vector<1x16xf32>,
          %get3A_415 = vector.shape_cast %get3A_414 : vector<1x16xf32> to vector<16xf32>
          %get3A_416 = arith.index_cast %add3A_346 : i32 to index
          %get3A_417 = arith.constant 96 : index
          %get3A_418 = tpu.vector_load %arg21[%get3A_416, %get3A_417] {strides = array<i32>} : memref<32x128xf32, #tpu.memory_space<vmem>>, vector<1x16xf32>,
          %get3A_419 = vector.shape_cast %get3A_418 : vector<1x16xf32> to vector<16xf32>
          %mul3A_420 = arith.mulf %get3A_415, %get3A_419 : vector<16xf32>
          %mul3A_421 = arith.mulf %mul3A_420, %get3A_41 : vector<16xf32>
          %add3A_422 = arith.addf %add3A_411, %mul3A_421 : vector<16xf32>
          %get3A_423 = arith.index_cast %add3A_346 : i32 to index
          %get3A_424 = arith.constant 112 : index
          %get3A_425 = tpu.vector_load %arg19[%get3A_423, %get3A_424] {strides = array<i32>} : memref<32x128xf32, #tpu.memory_space<vmem>>, vector<1x16xf32>,
          %get3A_426 = vector.shape_cast %get3A_425 : vector<1x16xf32> to vector<16xf32>
          %get3A_427 = arith.index_cast %add3A_346 : i32 to index
          %get3A_428 = arith.constant 112 : index
          %get3A_429 = tpu.vector_load %arg21[%get3A_427, %get3A_428] {strides = array<i32>} : memref<32x128xf32, #tpu.memory_space<vmem>>, vector<1x16xf32>,
          %get3A_430 = vector.shape_cast %get3A_429 : vector<1x16xf32> to vector<16xf32>
          %mul3A_431 = arith.mulf %get3A_426, %get3A_430 : vector<16xf32>
          %mul3A_432 = arith.mulf %mul3A_431, %get3A_46 : vector<16xf32>
          %add3A_433 = arith.addf %add3A_422, %mul3A_432 : vector<16xf32>
          %mul3A_434 = arith.constant 32 : i32
          %mul3A_435 = arith.muli %add3A_190, %mul3A_434 : i32
          %multiple_of3A_436 = tpu.assume_multiple %mul3A_435, 32 : i32
          %add3A_437 = arith.addi %multiple_of3A_436, %add3A_346 : i32
          %swap3A_438 = arith.index_cast %add3A_437 : i32 to index
          %swap3A_439 = arith.constant 0 : index
          %swap3A_440 = tpu.vector_load %arg17[%swap3A_438, %swap3A_439] {strides = array<i32>} : memref<512x16xf32, #tpu.memory_space<vmem>>, vector<1x16xf32>,
          %swap3A_441 = vector.shape_cast %swap3A_440 : vector<1x16xf32> to vector<16xf32>
          %swap3A_442 = vector.shape_cast %add3A_433 : vector<16xf32> to vector<1x16xf32>
          tpu.vector_store %arg17[%swap3A_438, %swap3A_439], %swap3A_442 {strides = array<i32>} : memref<512x16xf32, #tpu.memory_space<vmem>>, vector<1x16xf32>,
          %scan3A_443 = arith.constant 0 : i32
          scf.yield %scan3A_443 : i32
        }
        %scan3A_241 = arith.constant 16 : i32
      } else {
      }
      %scan3A_137 = arith.constant 0 : i32
      scf.yield %scan3A_137 : i32
    }
    %scan3A_99 = arith.constant 8 : i32
    %multiple_of3A_100 = arith.constant 448 : i32
    %multiple_of3A_101 = tpu.assume_multiple %multiple_of3A_100, 32 : i32
    %add3A_102 = arith.addi %mul3A_2, %multiple_of3A_101 : i32
    %dma_wait3A = arith.constant 0 : i32
    %dma_wait3A_103 = tpu.memref_slice %arg10[%add3A_102, %dma_wait3A] : memref<16384x128xf32, #tpu.memory_space<hbm>> -> memref<32x128xf32, #tpu.memory_space<hbm>>
    %dma_wait3A_104 = arith.constant 0 : i32
    %dma_wait3A_105 = tpu.memref_slice %arg10[%add3A_102, %dma_wait3A_104] : memref<16384x128xf32, #tpu.memory_space<hbm>> -> memref<32x128xf32, #tpu.memory_space<hbm>>
    tpu.wait_dma2 semaphore(%arg34 : memref<!tpu.dma_semaphore, #tpu.memory_space<semaphore_mem>>) src(%arg22 : memref<32x128xf32, #tpu.memory_space<vmem>>) dst(%dma_wait3A_105 : memref<32x128xf32, #tpu.memory_space<hbm>>)
    %multiple_of3A_106 = arith.constant 448 : i32
    %multiple_of3A_107 = tpu.assume_multiple %multiple_of3A_106, 32 : i32
    %add3A_108 = arith.addi %mul3A_2, %multiple_of3A_107 : i32
    %dma_wait3A_109 = arith.constant 0 : i32
    %dma_wait3A_110 = tpu.memref_slice %arg11[%add3A_108, %dma_wait3A_109] : memref<16384x128xf32, #tpu.memory_space<hbm>> -> memref<32x128xf32, #tpu.memory_space<hbm>>
    %dma_wait3A_111 = arith.constant 0 : i32
    %dma_wait3A_112 = tpu.memref_slice %arg11[%add3A_108, %dma_wait3A_111] : memref<16384x128xf32, #tpu.memory_space<hbm>> -> memref<32x128xf32, #tpu.memory_space<hbm>>
    tpu.wait_dma2 semaphore(%arg36 : memref<!tpu.dma_semaphore, #tpu.memory_space<semaphore_mem>>) src(%arg24 : memref<32x128xf32, #tpu.memory_space<vmem>>) dst(%dma_wait3A_112 : memref<32x128xf32, #tpu.memory_space<hbm>>)
    %multiple_of3A_113 = arith.constant 480 : i32
    %multiple_of3A_114 = tpu.assume_multiple %multiple_of3A_113, 32 : i32
    %add3A_115 = arith.addi %mul3A_2, %multiple_of3A_114 : i32
    %dma_wait3A_116 = arith.constant 0 : i32
    %dma_wait3A_117 = tpu.memref_slice %arg10[%add3A_115, %dma_wait3A_116] : memref<16384x128xf32, #tpu.memory_space<hbm>> -> memref<32x128xf32, #tpu.memory_space<hbm>>
    %dma_wait3A_118 = arith.constant 0 : i32
    %dma_wait3A_119 = tpu.memref_slice %arg10[%add3A_115, %dma_wait3A_118] : memref<16384x128xf32, #tpu.memory_space<hbm>> -> memref<32x128xf32, #tpu.memory_space<hbm>>
    tpu.wait_dma2 semaphore(%arg35 : memref<!tpu.dma_semaphore, #tpu.memory_space<semaphore_mem>>) src(%arg23 : memref<32x128xf32, #tpu.memory_space<vmem>>) dst(%dma_wait3A_119 : memref<32x128xf32, #tpu.memory_space<hbm>>)
    %multiple_of3A_120 = arith.constant 480 : i32
    %multiple_of3A_121 = tpu.assume_multiple %multiple_of3A_120, 32 : i32
    %add3A_122 = arith.addi %mul3A_2, %multiple_of3A_121 : i32
    %dma_wait3A_123 = arith.constant 0 : i32
    %dma_wait3A_124 = tpu.memref_slice %arg11[%add3A_122, %dma_wait3A_123] : memref<16384x128xf32, #tpu.memory_space<hbm>> -> memref<32x128xf32, #tpu.memory_space<hbm>>
    %dma_wait3A_125 = arith.constant 0 : i32
    %dma_wait3A_126 = tpu.memref_slice %arg11[%add3A_122, %dma_wait3A_125] : memref<16384x128xf32, #tpu.memory_space<hbm>> -> memref<32x128xf32, #tpu.memory_space<hbm>>
    tpu.wait_dma2 semaphore(%arg37 : memref<!tpu.dma_semaphore, #tpu.memory_space<semaphore_mem>>) src(%arg25 : memref<32x128xf32, #tpu.memory_space<vmem>>) dst(%dma_wait3A_126 : memref<32x128xf32, #tpu.memory_space<hbm>>)
    "tpu.region"() ({
      %run_scoped3A = tpu.sem_alloc : memref<!tpu.dma_semaphore, #tpu.memory_space<semaphore_mem>>
      %dma_start3A_127 = arith.constant 0 : i32
      %dma_start3A_128 = tpu.memref_slice %arg12[%mul3A_2, %dma_start3A_127] : memref<16384x16xf32, #tpu.memory_space<hbm>> -> memref<512x16xf32, #tpu.memory_space<hbm>>
      %dma_start3A_129 = arith.constant 0 : i32
      %dma_start3A_130 = tpu.memref_slice %arg12[%mul3A_2, %dma_start3A_129] : memref<16384x16xf32, #tpu.memory_space<hbm>> -> memref<512x16xf32, #tpu.memory_space<hbm>>
      tpu.enqueue_dma source(%arg17 : memref<512x16xf32, #tpu.memory_space<vmem>>) target(%dma_start3A_130 : memref<512x16xf32, #tpu.memory_space<hbm>>) target_semaphore(%run_scoped3A : memref<!tpu.dma_semaphore, #tpu.memory_space<semaphore_mem>>)
      %dma_wait3A_131 = arith.constant 0 : i32
      %dma_wait3A_132 = tpu.memref_slice %arg12[%mul3A_2, %dma_wait3A_131] : memref<16384x16xf32, #tpu.memory_space<hbm>> -> memref<512x16xf32, #tpu.memory_space<hbm>>
      %dma_wait3A_133 = arith.constant 0 : i32
      %dma_wait3A_134 = tpu.memref_slice %arg12[%mul3A_2, %dma_wait3A_133] : memref<16384x16xf32, #tpu.memory_space<hbm>> -> memref<512x16xf32, #tpu.memory_space<hbm>>
      tpu.wait_dma2 semaphore(%run_scoped3A : memref<!tpu.dma_semaphore, #tpu.memory_space<semaphore_mem>>) src(%arg17 : memref<512x16xf32, #tpu.memory_space<vmem>>) dst(%dma_wait3A_134 : memref<512x16xf32, #tpu.memory_space<hbm>>)
      tpu.yield
    }) : () -> ()
    return
  }
}

module attributes {stable_mosaic.version = 14 : i64} {
  func.func @_tc_mlp_body(%arg0: i32, %arg1: memref<2048x128xf32, #tpu.memory_space<vmem>>, %arg2: memref<2048x128xf32, #tpu.memory_space<vmem>>, %arg3: memref<2048x16xf32, #tpu.memory_space<vmem>>, %arg4: memref<128x256xf32, #tpu.memory_space<vmem>>, %arg5: memref<128xf32, #tpu.memory_space<vmem>>, %arg6: memref<64x128xf32, #tpu.memory_space<vmem>>, %arg7: memref<64xf32, #tpu.memory_space<vmem>>, %arg8: memref<32x64xf32, #tpu.memory_space<vmem>>, %arg9: memref<32xf32, #tpu.memory_space<vmem>>, %arg10: memref<1x160xf32, #tpu.memory_space<vmem>>, %arg11: memref<1xf32, #tpu.memory_space<vmem>>, %arg12: memref<2048xf32, #tpu.memory_space<vmem>>) attributes {dimension_semantics = [#tpu.dimension_semantics<arbitrary>], iteration_bounds = array<i64: 8>, scalar_prefetch = 0 : i64, scratch_operands = 0 : i64, tpu.core_type = #tpu.core_type<tc>, window_params = [{transform_indices = @transform_0, window_bounds = array<i64: 2048, 128>}, {transform_indices = @transform_1, window_bounds = array<i64: 2048, 128>}, {transform_indices = @transform_2, window_bounds = array<i64: 2048, 16>}, {pipeline_mode = #tpu.pipeline_mode<synchronous>, transform_indices = @transform_3, window_bounds = array<i64: 128, 256>}, {pipeline_mode = #tpu.pipeline_mode<synchronous>, transform_indices = @transform_4, window_bounds = array<i64: 128>}, {pipeline_mode = #tpu.pipeline_mode<synchronous>, transform_indices = @transform_5, window_bounds = array<i64: 64, 128>}, {pipeline_mode = #tpu.pipeline_mode<synchronous>, transform_indices = @transform_6, window_bounds = array<i64: 64>}, {pipeline_mode = #tpu.pipeline_mode<synchronous>, transform_indices = @transform_7, window_bounds = array<i64: 32, 64>}, {pipeline_mode = #tpu.pipeline_mode<synchronous>, transform_indices = @transform_8, window_bounds = array<i64: 32>}, {pipeline_mode = #tpu.pipeline_mode<synchronous>, transform_indices = @transform_9, window_bounds = array<i64: 1, 160>}, {pipeline_mode = #tpu.pipeline_mode<synchronous>, transform_indices = @transform_10, window_bounds = array<i64: 1>}, {transform_indices = @transform_11, window_bounds = array<i64: 2048>}]} {
    %get3A = arith.constant 0 : index
    %get3A_0 = arith.constant 0 : index
    %get3A_1 = vector.load %arg4[%get3A, %get3A_0] : memref<128x256xf32, #tpu.memory_space<vmem>>, vector<128x128xf32>
    %get3A_2 = arith.constant 0 : index
    %get3A_3 = arith.constant 0 : index
    %get3A_4 = vector.load %arg1[%get3A_2, %get3A_3] : memref<2048x128xf32, #tpu.memory_space<vmem>>, vector<2048x128xf32>
    %dot_general3A = arith.constant dense<0.000000e+00> : vector<128x2048xf32>
    %dot_general3A_5 = tpu.matmul %get3A_1, %get3A_4, %dot_general3A {dimension_numbers = #tpu.dot_dimension_numbers<[1], [1], [0], [0], [0, 0, 1, 0], [], []>, transpose_lhs_hint = false} : vector<128x128xf32>, vector<2048x128xf32>, vector<128x2048xf32> -> vector<128x2048xf32>
    %get3A_6 = arith.constant 0 : index
    %get3A_7 = arith.constant 128 : index
    %get3A_8 = vector.load %arg4[%get3A_6, %get3A_7] : memref<128x256xf32, #tpu.memory_space<vmem>>, vector<128x128xf32>
    %get3A_9 = arith.constant 0 : index
    %get3A_10 = arith.constant 0 : index
    %get3A_11 = vector.load %arg2[%get3A_9, %get3A_10] : memref<2048x128xf32, #tpu.memory_space<vmem>>, vector<2048x128xf32>
    %dot_general3A_12 = arith.constant dense<0.000000e+00> : vector<128x2048xf32>
    %dot_general3A_13 = tpu.matmul %get3A_8, %get3A_11, %dot_general3A_12 {dimension_numbers = #tpu.dot_dimension_numbers<[1], [1], [0], [0], [0, 0, 1, 0], [], []>, transpose_lhs_hint = false} : vector<128x128xf32>, vector<2048x128xf32>, vector<128x2048xf32> -> vector<128x2048xf32>
    %add3A = arith.addf %dot_general3A_5, %dot_general3A_13 : vector<128x2048xf32>
    %get3A_14 = arith.constant 0 : index
    %get3A_15 = vector.load %arg5[%get3A_14] : memref<128xf32, #tpu.memory_space<vmem>>, vector<128xf32>
    %broadcast_in_dim3A = vector.shape_cast %get3A_15 : vector<128xf32> to vector<128x1xf32>
    %add3A_16 = vector.broadcast %broadcast_in_dim3A : vector<128x1xf32> to vector<128x2048xf32>
    %add3A_17 = arith.addf %add3A, %add3A_16 : vector<128x2048xf32>
    %max3A = arith.constant 0.000000e+00 : f32
    %max3A_18 = vector.broadcast %max3A : f32 to vector<128x2048xf32>
    %max3A_19 = arith.maximumf %add3A_17, %max3A_18 : vector<128x2048xf32>
    %get3A_20 = arith.constant 0 : index
    %get3A_21 = arith.constant 0 : index
    %get3A_22 = vector.load %arg6[%get3A_20, %get3A_21] : memref<64x128xf32, #tpu.memory_space<vmem>>, vector<64x128xf32>
    %dot_general3A_23 = arith.constant dense<0.000000e+00> : vector<64x2048xf32>
    %dot_general3A_24 = tpu.matmul %get3A_22, %max3A_19, %dot_general3A_23 {dimension_numbers = #tpu.dot_dimension_numbers<[1], [0], [0], [1], [0, 0, 1, 1], [], []>, transpose_lhs_hint = false} : vector<64x128xf32>, vector<128x2048xf32>, vector<64x2048xf32> -> vector<64x2048xf32>
    %get3A_25 = arith.constant 0 : index
    %get3A_26 = vector.load %arg7[%get3A_25] : memref<64xf32, #tpu.memory_space<vmem>>, vector<64xf32>
    %broadcast_in_dim3A_27 = vector.shape_cast %get3A_26 : vector<64xf32> to vector<64x1xf32>
    %add3A_28 = vector.broadcast %broadcast_in_dim3A_27 : vector<64x1xf32> to vector<64x2048xf32>
    %add3A_29 = arith.addf %dot_general3A_24, %add3A_28 : vector<64x2048xf32>
    %max3A_30 = arith.constant 0.000000e+00 : f32
    %max3A_31 = vector.broadcast %max3A_30 : f32 to vector<64x2048xf32>
    %max3A_32 = arith.maximumf %add3A_29, %max3A_31 : vector<64x2048xf32>
    %get3A_33 = arith.constant 0 : index
    %get3A_34 = arith.constant 0 : index
    %get3A_35 = vector.load %arg8[%get3A_33, %get3A_34] : memref<32x64xf32, #tpu.memory_space<vmem>>, vector<32x64xf32>
    %dot_general3A_36 = arith.constant dense<0.000000e+00> : vector<32x2048xf32>
    %dot_general3A_37 = tpu.matmul %get3A_35, %max3A_32, %dot_general3A_36 {dimension_numbers = #tpu.dot_dimension_numbers<[1], [0], [0], [1], [0, 0, 1, 1], [], []>, transpose_lhs_hint = false} : vector<32x64xf32>, vector<64x2048xf32>, vector<32x2048xf32> -> vector<32x2048xf32>
    %get3A_38 = arith.constant 0 : index
    %get3A_39 = vector.load %arg9[%get3A_38] : memref<32xf32, #tpu.memory_space<vmem>>, vector<32xf32>
    %broadcast_in_dim3A_40 = vector.shape_cast %get3A_39 : vector<32xf32> to vector<32x1xf32>
    %add3A_41 = vector.broadcast %broadcast_in_dim3A_40 : vector<32x1xf32> to vector<32x2048xf32>
    %add3A_42 = arith.addf %dot_general3A_37, %add3A_41 : vector<32x2048xf32>
    %max3A_43 = arith.constant 0.000000e+00 : f32
    %max3A_44 = vector.broadcast %max3A_43 : f32 to vector<32x2048xf32>
    %max3A_45 = arith.maximumf %add3A_42, %max3A_44 : vector<32x2048xf32>
    %get3A_46 = arith.constant 0 : index
    %get3A_47 = arith.constant 128 : index
    %get3A_48 = vector.load %arg10[%get3A_46, %get3A_47] : memref<1x160xf32, #tpu.memory_space<vmem>>, vector<1x32xf32>
    %dot_general3A_49 = arith.constant dense<0.000000e+00> : vector<1x2048xf32>
    %dot_general3A_50 = tpu.matmul %get3A_48, %max3A_45, %dot_general3A_49 {dimension_numbers = #tpu.dot_dimension_numbers<[1], [0], [0], [1], [0, 0, 1, 1], [], []>, transpose_lhs_hint = false} : vector<1x32xf32>, vector<32x2048xf32>, vector<1x2048xf32> -> vector<1x2048xf32>
    %broadcast_in_dim3A_51 = arith.constant 1.000000e+00 : f32
    %broadcast_in_dim3A_52 = vector.broadcast %broadcast_in_dim3A_51 : f32 to vector<1x16xf32>
    %get3A_53 = arith.constant 0 : index
    %get3A_54 = arith.constant 0 : index
    %get3A_55 = vector.load %arg3[%get3A_53, %get3A_54] : memref<2048x16xf32, #tpu.memory_space<vmem>>, vector<2048x16xf32>
    %dot_general3A_56 = arith.constant dense<0.000000e+00> : vector<1x2048xf32>
    %dot_general3A_57 = tpu.matmul %broadcast_in_dim3A_52, %get3A_55, %dot_general3A_56 {dimension_numbers = #tpu.dot_dimension_numbers<[1], [1], [0], [0], [0, 0, 1, 0], [], []>, transpose_lhs_hint = false} : vector<1x16xf32>, vector<2048x16xf32>, vector<1x2048xf32> -> vector<1x2048xf32>
    %add3A_58 = arith.addf %dot_general3A_50, %dot_general3A_57 : vector<1x2048xf32>
    %get3A_59 = arith.constant 0 : index
    %get3A_60 = vector.load %arg11[%get3A_59] : memref<1xf32, #tpu.memory_space<vmem>>, vector<1xf32>
    %get3A_61 = vector.extract %get3A_60[0] : f32 from vector<1xf32>
    %add3A_62 = vector.broadcast %get3A_61 : f32 to vector<1x2048xf32>
    %add3A_63 = arith.addf %add3A_58, %add3A_62 : vector<1x2048xf32>
    %neg3A = arith.constant 0.000000e+00 : f32
    %neg3A_64 = vector.broadcast %neg3A : f32 to vector<1x2048xf32>
    %neg3A_65 = arith.subf %neg3A_64, %add3A_63 : vector<1x2048xf32>
    %exp3A = math.exp %neg3A_65 : vector<1x2048xf32>
    %add3A_66 = arith.constant 1.000000e+00 : f32
    %add3A_67 = vector.broadcast %add3A_66 : f32 to vector<1x2048xf32>
    %add3A_68 = arith.addf %add3A_67, %exp3A : vector<1x2048xf32>
    %div3A = arith.constant 1.000000e+00 : f32
    %div3A_69 = vector.broadcast %div3A : f32 to vector<1x2048xf32>
    %div3A_70 = arith.divf %div3A_69, %add3A_68 : vector<1x2048xf32>
    %squeeze3A = vector.shape_cast %div3A_70 : vector<1x2048xf32> to vector<2048xf32>
    %swap3A = arith.constant 0 : index
    %swap3A_71 = vector.load %arg12[%swap3A] : memref<2048xf32, #tpu.memory_space<vmem>>, vector<2048xf32>
    tpu.vector_store %arg12[%swap3A], %squeeze3A {strides = array<i32>} : memref<2048xf32, #tpu.memory_space<vmem>>, vector<2048xf32>,
    return
  }
  func.func @transform_0(%arg0: i32) -> (i32, i32) {
    %c0_i32 = arith.constant 0 : i32
    %c0_i32_0 = arith.constant 0 : i32
    return %arg0, %c0_i32 : i32, i32
  }
  func.func @transform_1(%arg0: i32) -> (i32, i32) {
    %c0_i32 = arith.constant 0 : i32
    %c0_i32_0 = arith.constant 0 : i32
    return %arg0, %c0_i32 : i32, i32
  }
  func.func @transform_2(%arg0: i32) -> (i32, i32) {
    %c0_i32 = arith.constant 0 : i32
    %c0_i32_0 = arith.constant 0 : i32
    return %arg0, %c0_i32 : i32, i32
  }
  func.func @transform_3(%arg0: i32) -> (i32, i32) {
    %c0_i32 = arith.constant 0 : i32
    %c0_i32_0 = arith.constant 0 : i32
    %c0_i32_1 = arith.constant 0 : i32
    return %c0_i32, %c0_i32_0 : i32, i32
  }
  func.func @transform_4(%arg0: i32) -> i32 {
    %c0_i32 = arith.constant 0 : i32
    %c0_i32_0 = arith.constant 0 : i32
    return %c0_i32 : i32
  }
  func.func @transform_5(%arg0: i32) -> (i32, i32) {
    %c0_i32 = arith.constant 0 : i32
    %c0_i32_0 = arith.constant 0 : i32
    %c0_i32_1 = arith.constant 0 : i32
    return %c0_i32, %c0_i32_0 : i32, i32
  }
  func.func @transform_6(%arg0: i32) -> i32 {
    %c0_i32 = arith.constant 0 : i32
    %c0_i32_0 = arith.constant 0 : i32
    return %c0_i32 : i32
  }
  func.func @transform_7(%arg0: i32) -> (i32, i32) {
    %c0_i32 = arith.constant 0 : i32
    %c0_i32_0 = arith.constant 0 : i32
    %c0_i32_1 = arith.constant 0 : i32
    return %c0_i32, %c0_i32_0 : i32, i32
  }
  func.func @transform_8(%arg0: i32) -> i32 {
    %c0_i32 = arith.constant 0 : i32
    %c0_i32_0 = arith.constant 0 : i32
    return %c0_i32 : i32
  }
  func.func @transform_9(%arg0: i32) -> (i32, i32) {
    %c0_i32 = arith.constant 0 : i32
    %c0_i32_0 = arith.constant 0 : i32
    %c0_i32_1 = arith.constant 0 : i32
    return %c0_i32, %c0_i32_0 : i32, i32
  }
  func.func @transform_10(%arg0: i32) -> i32 {
    %c0_i32 = arith.constant 0 : i32
    %c0_i32_0 = arith.constant 0 : i32
    return %c0_i32 : i32
  }
  func.func @transform_11(%arg0: i32) -> i32 {
    %c0_i32 = arith.constant 0 : i32
    return %arg0 : i32
  }
}

</mosaic_0001>

<sc_bundles>
// kernel: kernel.4.cloned.1.call-start
scs
__scs_entry_jumppad:
0x0: {  	(pc) =	sbr.rel $0x88, $3  }
0x1: {  	(tag) =	ssettag $0x0;
	lr =	simm.s32 $0x1  }
0x2: {  	[smem:$0x3F93] =	sst lr;
	_ =	strace $0xD0000000  }
0x3: {  	_ = 	snop  }
0x4: {  	_ = 	snop  }
0x5: {  	_ = 	snop  }
0x6: {  	_ = 	snop  }
0x7: {  	_ = 	snop  }
__scs_overlays_trampoline_lowered:
0x8: {  	[smem:$0x3FA2] =	sst s0  }
0x9: {  	[smem:$0x3FA3] =	sst s1  }
0xa: {  	[smem:$0x3FA4] =	sst s2  }
0xb: {  	[smem:$0x3FA5] =	sst s3  }
0xc: {  	[smem:$0x3FA6] =	sst s4  }
0xd: {  	[smem:$0x3FA7] =	sst s5  }
0xe: {  	[smem:$0x3FA8] =	sst s6  }
0xf: {  	[smem:$0x3FA9] =	sst s7  }
0x10: {  	[smem:$0x3FAA] =	sst s8  }
0x11: {  	[smem:$0x3FAB] =	sst s9;
	s0 =	simm.s32 @!p0 $0x0  }
0x12: {  	s1 =	sld [smem:$0x3F91];
	s0 =	simm.s32 @p0 $0x1  }
0x13: {  	[smem:$0x3FAC] =	sst s0;
	s0 =	simm.s32 @!p1 $0x0  }
0x14: {  	s2 =	sld [smem:$0x3F90];
	s0 =	simm.s32 @p1 $0x1  }
0x15: {  	[smem:$0x3FAD] =	sst s0;
	s0 =	simm.s32 @!p2 $0x0  }
0x16: {  	s3 =	sld [smem:$0x3FDB];
	s0 =	simm.s32 @p2 $0x1  }
0x17: {  	s4 =	simm.s32 $0x1BF5;
	[smem:$0x3FAF] =	sst s0  }
0x18: {  	s0 =	sld [smem:$0x3F92];
	_ =	swait.ge [sflag:s4], $0x0  }
0x19: {  	s7 =	sld [smem:$0x3F93]  }
0x1a: {  	s8 =	sadd.s32 $0xFFFFE003, lr  }
0x1b: {  	s9 =	sadd.s32 $0xFFFFFEF7, lr;
	s5 =	simm.s32 $0xFFFFFFFF;
	p2 =	slt.u32 s8, $0xFFFFF086  }
0x1c: {  	p1 =	slt.u32 s9, $0xF7A;
	s5 =	simm.s32 @!p2 $0x0  }
0x1d: {  	s5 =	simm.s32 @p1 $0x1;
	p0 =	seq.s32 s7, s2  }
0x1e: {  	s7 =	smul.u32 @!p0 $0xF7A, s2;
	p2 =	seq.s32 @!p0 s5, $0x0  }
0x1f: {  	s9 =	smul.u32 $0xF7A, s1;
	s8 =	simm.s32 @!p0 $0x1BF5;
	p2 =	por !p2, p0  }
0x20: {  	[sflag:s8] =	ssyncset.s32 @!p0 $0xFFFFF086;
	s6 =	sadd.s32 @!p0 s3, s7;
	s7 =	simm.s32 @!p0 $0x108  }
0x21: {  	s3 =	sadd.s32 s3, s9;
	s6 =	sadd.s32 @!p0 $0x88, s6;
	s7 =	simm.s32 @p2 $0x1082  }
0x22: {  	[simem:s7], [sflag:s8] =	dma.local @!p0 [hbm:s6], $0xF7A  }
0x23: {  	s9 =	sor.u32 $0xD0000000, s2;
	s6 =	simm.s32 $0x108;
	_ =	swait.ge @!p0 [sflag:s8], $0x0  }
0x24: {  	s3 =	sadd.s32 $0x88, s3;
	s6 =	simm.s32 @!p1 $0x1082;
	[sflag:s4] =	ssyncset.s32 $0xFFFFF086  }
0x25: {  	[simem:s6], [sflag:s4] =	dma.local [hbm:s3], $0xF7A  }
0x26: {  	[smem:$0x3F93] =	sst s1;
	(tag) =	ssettag s2;
	_ =	strace s9  }
0x27: {  	s1 =	sld [smem:$0x3FA3]  }
0x28: {  	s2 =	sld [smem:$0x3FA4]  }
0x29: {  	s4 =	sld [smem:$0x3FA6]  }
0x2a: {  	p0 =	seq.s32 s5, $0x0;
	s5 =	sld [smem:$0x3FA7]  }
0x2b: {  	s6 =	sld [smem:$0x3FA8]  }
0x2c: {  	s7 =	sld [smem:$0x3FA9]  }
0x2d: {  	s3 =	simm.s32 $0x108;
	s8 =	sld [smem:$0x3FAA]  }
0x2e: {  	s3 =	simm.s32 @!p0 $0x1082;
	s9 =	sld [smem:$0x3FAB]  }
0x2f: {  	lr =	sadd.s32 s0, s3;
	s0 =	sld [smem:$0x3FA2]  }
0x30: {  	s3 =	sld [smem:$0x3FA5]  }
0x31: {  	[smem:$0x3FAE] =	sst s10  }
0x32: {  	s10 =	sld [smem:$0x3FAC];
	_ =	sdelay $0x3  }
0x33: {  	p0 =	seq.s32 s10, $0x1;
	s10 =	sld [smem:$0x3FAE];
	_ =	sdelay $0x3  }
0x34: {  	[smem:$0x3FAE] =	sst s10  }
0x35: {  	s10 =	sld [smem:$0x3FAD];
	_ =	sdelay $0x3  }
0x36: {  	p1 =	seq.s32 s10, $0x1;
	s10 =	sld [smem:$0x3FAE];
	_ =	sdelay $0x3  }
0x37: {  	[smem:$0x3FAE] =	sst s10  }
0x38: {  	s10 =	sld [smem:$0x3FAF]  }
0x39: {  	_ = 	snop;
	(pc) =	sbr.ind lr, $3  }
0x3a: {  	_ = 	snop  }
0x3b: {  	_ = 	snop  }
0x3c: {  	p2 =	seq.s32 s10, $0x1;
	s10 =	sld [smem:$0x3FAE]  }
0x3d: {  	_ =	shalt  }
0x3e: {  	_ =	shalt  }
0x3f: {  	_ =	shalt  }
0x40: {  	_ =	shalt  }
0x41: {  	_ =	shalt  }
0x42: {  	_ =	shalt  }
0x43: {  	_ =	shalt  }
0x44: {  	_ =	shalt  }
0x45: {  	_ =	shalt  }
0x46: {  	_ =	shalt  }
0x47: {  	_ =	shalt  }
0x48: {  	_ =	shalt  }
0x49: {  	_ =	shalt  }
0x4a: {  	_ =	shalt  }
0x4b: {  	_ =	shalt  }
0x4c: {  	_ =	shalt  }
0x4d: {  	_ =	shalt  }
0x4e: {  	_ =	shalt  }
0x4f: {  	_ =	shalt  }
0x50: {  	_ =	shalt  }
0x51: {  	_ =	shalt  }
0x52: {  	_ =	shalt  }
0x53: {  	_ =	shalt  }
0x54: {  	_ =	shalt  }
0x55: {  	_ =	shalt  }
0x56: {  	_ =	shalt  }
0x57: {  	_ =	shalt  }
0x58: {  	_ =	shalt  }
0x59: {  	_ =	shalt  }
0x5a: {  	_ =	shalt  }
0x5b: {  	_ =	shalt  }
0x5c: {  	_ =	shalt  }
0x5d: {  	_ =	shalt  }
0x5e: {  	_ =	shalt  }
0x5f: {  	_ =	shalt  }
0x60: {  	_ =	shalt  }
0x61: {  	_ =	shalt  }
0x62: {  	_ =	shalt  }
0x63: {  	_ =	shalt  }
0x64: {  	_ =	shalt  }
0x65: {  	_ =	shalt  }
0x66: {  	_ =	shalt  }
0x67: {  	_ =	shalt  }
0x68: {  	_ =	shalt  }
0x69: {  	_ =	shalt  }
0x6a: {  	_ =	shalt  }
0x6b: {  	_ =	shalt  }
0x6c: {  	_ =	shalt  }
0x6d: {  	_ =	shalt  }
0x6e: {  	_ =	shalt  }
0x6f: {  	_ =	shalt  }
0x70: {  	_ =	shalt  }
0x71: {  	_ =	shalt  }
0x72: {  	_ =	shalt  }
0x73: {  	_ =	shalt  }
0x74: {  	_ =	shalt  }
0x75: {  	_ =	shalt  }
0x76: {  	_ =	shalt  }
0x77: {  	_ =	shalt  }
0x78: {  	_ =	shalt  }
0x79: {  	_ =	shalt  }
0x7a: {  	_ =	shalt  }
0x7b: {  	_ =	shalt  }
0x7c: {  	_ =	shalt  }
0x7d: {  	_ =	shalt  }
0x7e: {  	_ =	shalt  }
0x7f: {  	_ =	shalt  }
0x80: {  	_ =	shalt  }
0x81: {  	_ =	shalt  }
0x82: {  	_ =	shalt  }
0x83: {  	_ =	shalt  }
0x84: {  	_ =	shalt  }
0x85: {  	_ =	shalt  }
0x86: {  	_ =	shalt  }
0x87: {  	_ =	shalt  }
.Lfunc_end0:
.L_simem_size_0:
called_computation_lowered:
.L_overlay_start_0:
0x88: {  	s2 =	sld [smem:$0x3FD9]  }
0x89: {  	s3 =	sld [smem:$0x3FFE];
	_ =	sdelay $0x1  }
0x8a: {  	s1 =	srdreg.scid  }
0x8b: {  	s0 =	sand.u32 $0x1, s1  }
0x8c: {  	s17 =	sshll.u32 s0, $0xA;
	s2 =	sadd.s32 s3, s2  }
0x8d: {  	s2 =	sadd.s32 s2, s17  }
0x8e: {  	[smem:$0x3FBA] =	sst s2  }
0x8f: {  	_ = 	snop  }
0x90: {  	s2 =	sld [smem:$0x3FC9]  }
0x91: {  	s18 =	sld [smem:$0x3FC8]  }
0x92: {  	s4 =	sld [smem:$0x3FC7]  }
0x93: {  	s5 =	sld [smem:$0x3FC6]  }
0x94: {  	s6 =	sld [smem:$0x3FC5]  }
0x95: {  	s7 =	sld [smem:$0x3FC4]  }
0x96: {  	s8 =	sld [smem:$0x3FBD]  }
0x97: {  	s9 =	sld [smem:$0x3FD0];
	(tm) =	ssettm $0x1  }
0x98: {  	s10 =	sld [smem:$0x3FFB];
	_ =	sdelay $0x3  }
0x99: {  	_ =	strace s10  }
0x9a: {  	s10 =	sld [smem:$0x3FFC];
	_ =	sdelay $0x3  }
0x9b: {  	_ =	strace s10  }
0x9c: {  	s10 =	sld [smem:$0x3FFD];
	_ =	sdelay $0x3  }
0x9d: {  	_ =	strace s10  }
0x9e: {  	_ =	strace $0x8FFFFFFF  }
0x9f: {  	s19 =	sld [smem:$0x3FDB];
	_ =	sdelay $0x1  }
0xa0: {  	s11 =	simm.s32 $_scs_section_size  }
0xa1: {  	s12 =	simm.s32 $_size__tile_overlayer_lowered;
	s13 =	simm.s32 $_tile_overlayer_lowered  }
0xa2: {  	s22 =	simm.s32 $0x1BFF;
	s21 =	sshll.u32 s13, $0x1;
	s10 =	sadd.s32 s11, s19  }
0xa3: {  	s14 =	simm.s32 $0x0;
	s20 =	sshll.u32 s12, $0x1;
	s12 =	sadd.s32 s21, s10  }
0xa4: {  	[timem:s14], [sflag:s22] =	dma.local [hbm:s12], s20  }
0xa5: {  	_ =	swait.ge [sflag:s22], s20  }
0xa6: {  	s11 =	ssub.s32 $0x0, s20;
	[sflag:s22] =	ssyncset.done $0x0  }
0xa7: {  	[sflag:s22] =	ssyncadd.s32 s11;
	_ =	sdelay $0x1  }
0xa8: {  	s23 =	simm.s32 $0x1B8B  }
0xa9: {  	_ =	swait.ge [sflag:s23], $0x1  }
0xaa: {  	[sflag:s23] =	ssyncset.done $0x0  }
0xab: {  	s25 =	simm.s32 $0x1B8E;
	s24 =	sld [smem:$0x3FFE];
	[sflag:s23] =	ssyncadd.s32 $0xFFFFFFFF  }
0xac: {  	s26 =	simm.s32 $execute0_lowered;
	[smem:$0x3FD2] =	sst s25  }
0xad: {  	s12 =	sshll.u32 s26, $0x1;
	_ =	strace $0x80000046;
	[dreg:$0x1] =	wrdreg $0xFFFFFFFF  }
0xae: {  	s28 =	simm.s32 $_size_execute0_lowered;
	s10 =	sadd.s32 s10, s12;
	[dreg:$0x0] =	wrdreg $0x0  }
0xaf: {  	s12 =	sshll.u32 s28, $0x1;
	[dreg:$0x2] =	wrdreg s10  }
0xb0: {  	[dreg:$0x3] =	wrdreg s12  }
0xb1: {  	[dreg:$0x4] =	wrdreg $0xC0  }
0xb2: {  	_ =	task [dreg:s14], $0x5FFFF  }
0xb3: {  	[dreg:$0x1] =	wrdreg $0xFFFFFFFF  }
0xb4: {  	[dreg:$0x0] =	wrdreg $0x60  }
0xb5: {  	[dreg:$0x2] =	wrdreg s9  }
0xb6: {  	[dreg:$0x3] =	wrdreg s2  }
0xb7: {  	[dreg:$0x4] =	wrdreg s18  }
0xb8: {  	[dreg:$0x5] =	wrdreg s4  }
0xb9: {  	[dreg:$0x6] =	wrdreg s5  }
0xba: {  	[dreg:$0x7] =	wrdreg s6  }
0xbb: {  	[dreg:$0x8] =	wrdreg s7  }
0xbc: {  	[dreg:$0x9] =	wrdreg s8  }
0xbd: {  	[dreg:$0xa] =	wrdreg s24  }
0xbe: {  	[dreg:$0xb] =	wrdreg $0x9  }
0xbf: {  	_ =	task.clear_ibuf [dreg:s14], $0xCFFFF;
	_ =	strace $0x90000046  }
0xc0: {  	s29 =	simm.s32 $0x9;
	_ =	strace $0x80000048  }
0xc1: {  	_ =	swait.ge [sflag:s29], $0x1  }
0xc2: {  	[sflag:s29] =	ssyncadd.s32 $0xFFFFFFFF  }
0xc3: {  	_ =	strace $0x90000048  }
0xc4: {  	_ =	sfence  }
0xc5: {  	s30 =	sld [smem:$0x0];
	_ =	sdelay $0x2  }
0xc6: {  	s31 =	sshll.u32 s1, $0xD;
	s1 =	sshrl.u32 s1, $0x2  }
0xc7: {  	s3 =	sand.u32 $0x4000, s31;
	s1 =	sadd.s32 s1, s30  }
0xc8: {  	s0 =	sor.u32 s3, s0;
	s1 =	sshll.u32 s1, $0x11  }
0xc9: {  	s0 =	sor.u32 s1, s0  }
0xca: {  	s0 =	sadd.s32 $0x8F2B, s0  }
0xcb: {  	[sflag:s0] =	ssyncadd.remote.s32 $0x1  }
0xcc: {  	_ =	sfence.sel $0xFFFF  }
0xcd: {  	[dreg:$0x0] =	wrdreg $0xFFFFFFFF;
	(pc) =	sbr.abs _section_cstart, $3  }
0xce: {  	[dreg:$0x1] =	wrdreg $0xFFFFFFFF  }
0xcf: {  	_ =	task.clear_ibuf [dreg:s14], $0x2FFFF;
	_ =	strace $0x9FFFFFFF  }
0xd0: {  	(tm) =	ssettm $0x7FFFFFFF  }
0xd1: {  	_ =	shalt  }
tec
execute0_lowered:
.L_overlay_start_1:
0x0: {  	(tag) =	ssettag $0x1  }
0x1: {  	s31 =	rddreg [dreg:$0x3]  }
0x2: {  	s5 =	rddreg [dreg:$0x4]  }
0x3: {  	s6 =	rddreg [dreg:$0x5]  }
0x4: {  	s7 =	rddreg [dreg:$0x6]  }
0x5: {  	s0 =	rddreg [dreg:$0x8];
	s12 =	simm.s32 $0x0;
	s1 =	srdreg.scid  }
0x6: {  	s2 =	stileid.u32;
	s20 =	simm.s32 $0xD;
	s28 =	simm.s32 $0x14580  }
0x7: {  	s29 =	simm.s32 $0x16580;
	s8 =	simm.s32 $0x7;
	s30 =	simm.s32 $0x3  }
0x8: {  	s14 =	simm.s32 $0xB;
	s15 =	simm.s32 $0x6;
	s16 =	simm.s32 $0x8  }
0x9: {  	s17 =	simm.s32 $0x2;
	s18 =	simm.s32 $0x4;
	s19 =	simm.s32 $0xA  }
0xa: {  	[smem:$0x7FF] =	sst s12;
	s1 =	sand.u32 $0x1, s1;
	s2 =	sshll.u32 s2, $0xA  }
0xb: {  	s11 =	sadd.s32 $0x1A00, s0;
	s3 =	sshll.u32 s1, $0x9;
	s1 =	ssub.s32 $0x2, s1  }
0xc: {  	_ =	strace $0x80000047;
	s2 =	sor.u32 s3, s2;
	s23 =	sshrl.u32 s1, $0x1  }
0xd: {  	[dreg:$0xa] =	wrdreg s2;
	s2 =	sshll.u32 s2, $0x4;
	s1 =	ssub.s32 s1, s23  }
0xe: {  	s13 =	sadd.s32 $0x41A00, s0;
	s24 =	sor.u32 $0x1C00, s2;
	s26 =	smax.u32 s1, $0x1  }
0xf: {  	s0 =	sadd.s32 s2, s0;
	s4 =	sadd.s32 s11, s24;
	[dreg:$0x10] =	wrdreg s26  }
0x10: {  	s2 =	sor.u32 $0x1E00, s2;
	s3 =	sadd.s32 s13, s24;
	[dreg:$0xb] =	wrdreg s4  }
0x11: {  	s21 =	simm.s32 $0xC;
	s25 =	sadd.s32 s11, s2;
	[dreg:$0xc] =	wrdreg s3  }
0x12: {  	s10 =	simm.s32 $0x0;
	s2 =	sadd.s32 s13, s2;
	[dreg:$0xd] =	wrdreg s25  }
0x13: {  	s23 =	simm.s32 $0x1;
	s0 =	sadd.s32 $0x81A00, s0;
	[dreg:$0xe] =	wrdreg s2  }
0x14: {  	s1 =	simm.s32 $0x17580;
	s24 =	simm.s32 $0x20;
	[dreg:$0xf] =	wrdreg s0  }
0x15: {  	s0 =	simm.s32 $0x15580;
	s2 =	simm.s32 $0x5;
	s3 =	simm.s32 $0x9  }
.LBB2_1:
0x16: {  	[dreg:$0x11] =	wrdreg s10  }
0x17: {  	s4 =	rddreg [dreg:$0x0]  }
0x18: {  	[tilespmem:s12], [sflag:$0xD] =	stream.linear.gather [hbm4b:s4+s12], $0x80, $0x38;
	[tilespmem:$0x18580] =	vst v63  }
0x19: {  	_ =	swait.ge [sflag:s20], $0x80  }
0x1a: {  	[sflag:s20] =	ssyncset.done $0x0  }
0x1b: {  	[sflag:s20] =	ssyncadd.s32 $0xFFFFFF80  }
0x1c: {  	v0 =	vld [tilespmem:$0x0];
	_ =	sdelay $0x4  }
0x1d: {  	(v2sf) =	vpush v0, $0x0;
	_ =	sdelay $0xe  }
0x1e: {  	s25 =	rddreg [dreg:$0xa];
	s9 =	spop (v2sf)  }
0x1f: {  	s9 =	sadd.s32 s25, s9  }
0x20: {  	s26 =	rddreg [dreg:$0x1];
	s9 =	sshrl.u32 s9, $0x3  }
0x21: {  	s22 =	simm.s32 $0x80;
	s4 =	sadd.s32 s26, s9  }
0x22: {  	[tilespmem:s22], [sflag:$0xD] =	stream.linear.gather [hbm4b:s4+s12], $0x200, $0x38;
	[tilespmem:$0x18580] =	vst v63  }
0x23: {  	_ =	swait.ge [sflag:s20], $0x200  }
0x24: {  	[sflag:s20] =	ssyncset.done $0x0  }
0x25: {  	[sflag:s20] =	ssyncadd.s32 $0xFFFFFE00  }
0x26: {  	s10 =	rddreg [dreg:$0x2]  }
0x27: {  	s9 =	sadd.s32 s10, s9;
	s10 =	simm.s32 $0x280  }
0x28: {  	[tilespmem:s10], [sflag:$0xD] =	stream.linear.gather [hbm4b:s9+s12], $0x200, $0x38;
	[tilespmem:$0x18580] =	vst v63  }
0x29: {  	_ =	swait.ge [sflag:s20], $0x200  }
0x2a: {  	[sflag:s20] =	ssyncset.done $0x0  }
0x2b: {  	[sflag:s20] =	ssyncadd.s32 $0xFFFFFE00  }
0x2c: {  	s26 =	simm.s32 $0x480;
	s25 =	rddreg [dreg:$0x7]  }
0x2d: {  	[tilespmem:s26], [sflag:$0xD] =	stream.linear.gather [hbm4b:s25+s12], $0x100, $0x38;
	[tilespmem:$0x18580] =	vst v63  }
0x2e: {  	_ =	swait.ge [sflag:s20], $0x100  }
0x2f: {  	[sflag:s20] =	ssyncset.done $0x0  }
0x30: {  	[sflag:s20] =	ssyncadd.s32 $0xFFFFFF00  }
0x31: {  	v7 =	vld [tilespmem:$0x480]  }
0x32: {  	v6 =	vld [tilespmem:$0x490]  }
0x33: {  	v5 =	vld [tilespmem:$0x4A0]  }
0x34: {  	v4 =	vld [tilespmem:$0x4B0]  }
0x35: {  	v3 =	vld [tilespmem:$0x4C0]  }
0x36: {  	v2 =	vld [tilespmem:$0x4D0]  }
0x37: {  	s9 =	simm.s32 $0x10580;
	v1 =	vld [tilespmem:$0x4E0]  }
0x38: {  	v0 =	vld [tilespmem:$0x4F0];
	[tilespmem:s9], [sflag:$0x1] =	stream.indirect.gather [hbm4b:s31+s24], $0x80, s22, s24, $0xb8  }
0x39: {  	s12 =	simm.s32 $0x12580  }
0x3a: {  	[tilespmem:s12], [sflag:$0x3] =	stream.indirect.gather [hbm4b:s5+s24], $0x80, s10, s24, $0xb8;
	[tilespmem:$0x18580] =	vst v63  }
0x3b: {  	_ = 	snop  }
0x3c: {  	[tilespmem:s28], [sflag:$0x5] =	stream.indirect.gather [hbm4b:s6+s24], $0x80, s22, s24, $0xb8;
	[tilespmem:$0x18580] =	vst v63  }
0x3d: {  	_ = 	snop  }
0x3e: {  	[tilespmem:s29], [sflag:$0x7] =	stream.indirect.gather [hbm4b:s7+s24], $0x80, s10, s24, $0xb8;
	[tilespmem:$0x18580] =	vst v63  }
0x3f: {  	s20 =	simm.s32 $0xA0;
	s22 =	simm.s32 $0x11580  }
0x40: {  	[tilespmem:s22], [sflag:$0x2] =	stream.indirect.gather [hbm4b:s31+s24], $0x80, s20, s24, $0xb8;
	[tilespmem:$0x18580] =	vst v63  }
0x41: {  	s25 =	simm.s32 $0x2A0;
	s26 =	simm.s32 $0x13580  }
0x42: {  	[tilespmem:s26], [sflag:$0x4] =	stream.indirect.gather [hbm4b:s5+s24], $0x80, s25, s24, $0xb8;
	[tilespmem:$0x18580] =	vst v63  }
0x43: {  	_ = 	snop  }
0x44: {  	[tilespmem:s0], [sflag:$0x6] =	stream.indirect.gather [hbm4b:s6+s24], $0x80, s20, s24, $0xb8;
	[tilespmem:$0x18580] =	vst v63  }
0x45: {  	_ = 	snop  }
0x46: {  	[tilespmem:s1], [sflag:$0x8] =	stream.indirect.gather [hbm4b:s7+s24], $0x80, s25, s24, $0xb8;
	[tilespmem:$0x18580] =	vst v63  }
0x47: {  	_ =	swait.ge [sflag:s2], $0x1000  }
0x48: {  	[sflag:s2] =	ssyncset.done $0x0  }
0x49: {  	[sflag:s2] =	ssyncadd.s32 $0xFFFFF000  }
0x4a: {  	_ =	swait.ge [sflag:s8], $0x1000  }
0x4b: {  	s10 =	simm.s32 $0x1580;
	[sflag:s8] =	ssyncset.done $0x0  }
0x4c: {  	s22 =	simm.s32 $0x580;
	s20 =	simm.s32 $0x0;
	[sflag:s8] =	ssyncadd.s32 $0xFFFFF000  }
.LBB2_2:
0x4d: {  	s25 =	sshll.u32 s20, $0x6;
	s4 =	rddreg [dreg:$0xa]  }
0x4e: {  	s12 =	smov.u32 s7;
	s9 =	sor.u32 s4, s25  }
0x4f: {  	s7 =	smov.u32 s6;
	s6 =	smov.u32 s5;
	s26 =	sshll.u32 s9, $0x4  }
0x50: {  	s5 =	smov.u32 s31;
	s31 =	simm.s32 $0x0;
	s9 =	sadd.s32 s11, s26  }
0x51: {  	[hbm4b:s9+s31] =	stream.linear.scatter [tilespmem:s28], [sflag:$0x9], $0x1000, $0x38;
	[tilespmem:$0x18580] =	vst v63  }
0x52: {  	s4 =	sadd.s32 s13, s26  }
0x53: {  	[hbm4b:s4+s31] =	stream.linear.scatter [tilespmem:s29], [sflag:$0xB], $0x1000, $0x38;
	[tilespmem:$0x18580] =	vst v63  }
0x54: {  	_ =	swait.ge [sflag:s23], $0x1000  }
0x55: {  	[sflag:s23] =	ssyncset.done $0x0  }
0x56: {  	[sflag:s23] =	ssyncadd.s32 $0xFFFFF000  }
0x57: {  	_ =	swait.ge [sflag:s30], $0x1000  }
0x58: {  	[sflag:s30] =	ssyncset.done $0x0  }
0x59: {  	s31 =	simm.s32 $0x0;
	[sflag:s30] =	ssyncadd.s32 $0xFFFFF000  }
0x5a: {  	v8 =	vld [tilespmem:s31+$0x10580]  }
0x5b: {  	v9 =	vld [tilespmem:s31+$0x125A0]  }
0x5c: {  	v10 =	vld [tilespmem:s31+$0x12590]  }
0x5d: {  	v11 =	vld [tilespmem:s31+$0x10590]  }
0x5e: {  	v12 =	vld [tilespmem:s31+$0x12580]  }
0x5f: {  	v13 =	vld [tilespmem:s31+$0x105A0];
	_ =	sdelay $0x1  }
0x60: {  	v14 =	vld [tilespmem:s31+$0x125B0]  }
0x61: {  	v15 =	vld [tilespmem:s31+$0x105B0]  }
0x62: {  	v10 =	vmul.f32 v10, v11;
	v11 =	vld [tilespmem:s31+$0x125C0];
	v8 =	vmul.f32 v12, v8  }
0x63: {  	v12 =	vld [tilespmem:s31+$0x105C0];
	v9 =	vmul.f32 v9, v13  }
0x64: {  	v16 =	vld [tilespmem:s31+$0x105D0];
	v8 =	vmul.f32 v8, v7;
	v10 =	vmul.f32 v10, v6  }
0x65: {  	v13 =	vld [tilespmem:s31+$0x125D0]  }
0x66: {  	v14 =	vmul.f32 v14, v15;
	v15 =	vld [tilespmem:s31+$0x125E0];
	v9 =	vmul.f32 v9, v5;
	v8 =	vadd.f32 v10, v8  }
0x67: {  	v10 =	vld [tilespmem:s31+$0x105E0]  }
0x68: {  	v14 =	vmul.f32 v14, v4;
	v11 =	vmul.f32 v11, v12;
	v12 =	vld [tilespmem:s31+$0x105F0];
	v8 =	vadd.f32 v9, v8  }
0x69: {  	v9 =	vld [tilespmem:s31+$0x125F0]  }
0x6a: {  	v13 =	vmul.f32 v13, v16;
	v11 =	vmul.f32 v11, v3;
	v8 =	vadd.f32 v14, v8;
	_ =	sdelay $0x1  }
0x6b: {  	v13 =	vmul.f32 v13, v2;
	v10 =	vmul.f32 v15, v10;
	v8 =	vadd.f32 v11, v8;
	_ =	sdelay $0x1  }
0x6c: {  	v10 =	vmul.f32 v10, v1;
	v9 =	vmul.f32 v9, v12;
	v11 =	vadd.f32 v13, v8  }
0x6d: {  	v8 =	vmov s22  }
0x6e: {  	v9 =	vmul.f32 v9, v0;
	v10 =	vadd.f32 v10, v11;
	_ =	sdelay $0x1  }
0x6f: {  	v9 =	vadd.f32 v9, v10;
	_ =	sdelay $0x1  }
0x70: {  	[tilespmem:v8+s31+$0x0 ss:$0x1] =	vst.idx.msk $0xffff, v9  }
0x71: {  	v9 =	vld [tilespmem:s31+$0x10600]  }
0x72: {  	v10 =	vld [tilespmem:s31+$0x12600]  }
0x73: {  	v11 =	vld [tilespmem:s31+$0x10610]  }
0x74: {  	v12 =	vld [tilespmem:s31+$0x10620]  }
0x75: {  	v13 =	vld [tilespmem:s31+$0x12610]  }
0x76: {  	v14 =	vld [tilespmem:s31+$0x12620]  }
0x77: {  	v15 =	vld [tilespmem:s31+$0x10630]  }
0x78: {  	v63 =	vld [tilespmem:s31+$0x12630]  }
0x79: {  	v17 =	vld [tilespmem:s31+$0x10640]  }
0x7a: {  	v18 =	vld [tilespmem:s31+$0x12640];
	v9 =	vmul.f32 v10, v9;
	v10 =	vmul.f32 v13, v11  }
0x7b: {  	v11 =	vld [tilespmem:s31+$0x10650];
	v12 =	vmul.f32 v14, v12  }
0x7c: {  	v13 =	vld [tilespmem:s31+$0x12650];
	v9 =	vmul.f32 v9, v7;
	v10 =	vmul.f32 v10, v6  }
0x7d: {  	v19 =	vld [tilespmem:s31+$0x10660]  }
0x7e: {  	v20 =	vld [tilespmem:s31+$0x12660];
	v14 =	vmul.f32 v63, v15;
	v9 =	vadd.f32 v10, v9;
	v10 =	vmul.f32 v12, v5;
	_ =	sdelay $0x1  }
0x7f: {  	v14 =	vmul.f32 v14, v4;
	v12 =	vmul.f32 v18, v17;
	v15 =	vadd.f32 v10, v9;
	v9 =	vld [tilespmem:s31+$0x10670]  }
0x80: {  	v13 =	vmul.f32 v13, v11;
	v10 =	vld [tilespmem:s31+$0x12670]  }
0x81: {  	v11 =	vmul.f32 v12, v3;
	v14 =	vadd.f32 v14, v15  }
0x82: {  	s9 =	simm.s32 $0x400;
	v12 =	vmul.f32 v13, v2;
	v13 =	vmul.f32 v20, v19  }
.LBB2_3:
0x83: {  	p0 =	sne.s32 s9, $0x3C00;
	v11 =	vadd.f32 v11, v14;
	s4 =	smov.u32 s9;
	s9 =	sadd.s32 $0x400, s9  }
0x84: {  	_ = 	snop  }
0x85: {  	v11 =	vadd.f32 v12, v11;
	v12 =	vmul.f32 v13, v1;
	v9 =	vmul.f32 v10, v9;
	_ =	sdelay $0x1  }
0x86: {  	v10 =	vadd.f32 v12, v11;
	v9 =	vmul.f32 v9, v0;
	_ =	sdelay $0x1  }
0x87: {  	v9 =	vadd.f32 v9, v10;
	_ =	sdelay $0x1  }
0x88: {  	[tilespmem:v8+s31+$0x80 ss:$0x1] =	vst.idx.msk $0xffff, v9;
	s31 =	sshra.s32 s4, $0x2  }
0x89: {  	v9 =	vld [tilespmem:s31+$0x10580]  }
0x8a: {  	v10 =	vld [tilespmem:s31+$0x125A0]  }
0x8b: {  	v11 =	vld [tilespmem:s31+$0x12590]  }
0x8c: {  	v12 =	vld [tilespmem:s31+$0x10590]  }
0x8d: {  	v13 =	vld [tilespmem:s31+$0x12580]  }
0x8e: {  	v14 =	vld [tilespmem:s31+$0x105A0]  }
0x8f: {  	v15 =	vld [tilespmem:s31+$0x125B0]  }
0x90: {  	v16 =	vld [tilespmem:s31+$0x105B0]  }
0x91: {  	v11 =	vmul.f32 v11, v12;
	v12 =	vld [tilespmem:s31+$0x125C0]  }
0x92: {  	v9 =	vmul.f32 v13, v9;
	v13 =	vld [tilespmem:s31+$0x105C0]  }
0x93: {  	v10 =	vmul.f32 v10, v14;
	v14 =	vld [tilespmem:s31+$0x125D0]  }
0x94: {  	v11 =	vmul.f32 v11, v6;
	v9 =	vmul.f32 v9, v7;
	v17 =	vld [tilespmem:s31+$0x105D0]  }
0x95: {  	v10 =	vmul.f32 v10, v5;
	v15 =	vmul.f32 v15, v16;
	v16 =	vld [tilespmem:s31+$0x125E0]  }
0x96: {  	v9 =	vadd.f32 v11, v9;
	v11 =	vld [tilespmem:s31+$0x105E0]  }
0x97: {  	v15 =	vmul.f32 v15, v4;
	v12 =	vmul.f32 v12, v13  }
0x98: {  	v9 =	vadd.f32 v10, v9;
	v10 =	vld [tilespmem:s31+$0x125F0]  }
0x99: {  	v12 =	vmul.f32 v12, v3;
	v13 =	vmul.f32 v14, v17;
	v14 =	vld [tilespmem:s31+$0x105F0]  }
0x9a: {  	v9 =	vadd.f32 v15, v9  }
0x9b: {  	v13 =	vmul.f32 v13, v2;
	v11 =	vmul.f32 v16, v11  }
0x9c: {  	v9 =	vadd.f32 v12, v9  }
0x9d: {  	v11 =	vmul.f32 v11, v1  }
0x9e: {  	v9 =	vadd.f32 v13, v9;
	v10 =	vmul.f32 v10, v14;
	_ =	sdelay $0x1  }
0x9f: {  	v9 =	vadd.f32 v11, v9;
	v10 =	vmul.f32 v10, v0;
	_ =	sdelay $0x1  }
0xa0: {  	v9 =	vadd.f32 v10, v9;
	_ =	sdelay $0x1  }
0xa1: {  	[tilespmem:v8+s31+$0x0 ss:$0x1] =	vst.idx.msk $0xffff, v9  }
0xa2: {  	v9 =	vld [tilespmem:s31+$0x10600]  }
0xa3: {  	v10 =	vld [tilespmem:s31+$0x12600]  }
0xa4: {  	v11 =	vld [tilespmem:s31+$0x10610]  }
0xa5: {  	v12 =	vld [tilespmem:s31+$0x10620]  }
0xa6: {  	v13 =	vld [tilespmem:s31+$0x12610]  }
0xa7: {  	v14 =	vld [tilespmem:s31+$0x12620]  }
0xa8: {  	v9 =	vmul.f32 v10, v9;
	v10 =	vld [tilespmem:s31+$0x10630]  }
0xa9: {  	v15 =	vld [tilespmem:s31+$0x12630]  }
0xaa: {  	v16 =	vld [tilespmem:s31+$0x10640]  }
0xab: {  	v11 =	vmul.f32 v13, v11;
	v13 =	vld [tilespmem:s31+$0x12640]  }
0xac: {  	v12 =	vmul.f32 v14, v12;
	v14 =	vld [tilespmem:s31+$0x10650]  }
0xad: {  	v9 =	vmul.f32 v9, v7;
	v11 =	vmul.f32 v11, v6;
	v17 =	vld [tilespmem:s31+$0x12650]  }
0xae: {  	v10 =	vmul.f32 v15, v10;
	v15 =	vld [tilespmem:s31+$0x10660]  }
0xaf: {  	v12 =	vmul.f32 v12, v5;
	v11 =	vadd.f32 v11, v9;
	v18 =	vld [tilespmem:s31+$0x12660]  }
.Ltmp0:
0xb0: {  	v13 =	vmul.f32 v13, v16;
	v9 =	vld [tilespmem:s31+$0x10670];
	(pc) =	sbr.rel @p0 .LBB2_3-.Ltmp0, $4  }
0xb1: {  	v11 =	vadd.f32 v12, v11;
	v12 =	vmul.f32 v10, v4  }
0xb2: {  	v16 =	vmul.f32 v17, v14;
	v10 =	vld [tilespmem:s31+$0x12670]  }
0xb3: {  	v14 =	vadd.f32 v12, v11;
	v11 =	vmul.f32 v13, v3  }
0xb4: {  	v12 =	vmul.f32 v16, v2;
	v13 =	vmul.f32 v18, v15  }
0xb5: {  	v11 =	vadd.f32 v11, v14;
	_ =	sdelay $0x1  }
0xb6: {  	v11 =	vadd.f32 v12, v11;
	v12 =	vmul.f32 v13, v1;
	v9 =	vmul.f32 v10, v9;
	_ =	sdelay $0x1  }
0xb7: {  	v10 =	vadd.f32 v12, v11;
	v9 =	vmul.f32 v9, v0;
	_ =	sdelay $0x1  }
0xb8: {  	v9 =	vadd.f32 v9, v10;
	_ =	sdelay $0x1  }
0xb9: {  	[tilespmem:v8+s31+$0x80 ss:$0x1] =	vst.idx.msk $0xffff, v9  }
0xba: {  	_ =	swait.ge [sflag:s3], $0x1000  }
0xbb: {  	[sflag:s3] =	ssyncset.done $0x0  }
0xbc: {  	[sflag:s3] =	ssyncadd.s32 $0xFFFFF000  }
0xbd: {  	_ =	swait.ge [sflag:s14], $0x1000  }
0xbe: {  	s4 =	sadd.s32 $0xC0, s25;
	[sflag:s14] =	ssyncset.done $0x0  }
0xbf: {  	s9 =	simm.s32 $0x10580;
	s31 =	smov.u32 s5;
	[sflag:s14] =	ssyncadd.s32 $0xFFFFF000  }
0xc0: {  	[tilespmem:s9], [sflag:$0x1] =	stream.indirect.gather [hbm4b:s31+s24], $0x80, s4, s24, $0xb8;
	[tilespmem:$0x18580] =	vst v63  }
0xc1: {  	s5 =	smov.u32 s6;
	s6 =	simm.s32 $0x12580;
	s9 =	sadd.s32 $0x2C0, s25  }
0xc2: {  	[tilespmem:s6], [sflag:$0x3] =	stream.indirect.gather [hbm4b:s5+s24], $0x80, s9, s24, $0xb8;
	[tilespmem:$0x18580] =	vst v63  }
0xc3: {  	_ = 	snop  }
0xc4: {  	[tilespmem:s28], [sflag:$0x5] =	stream.indirect.gather [hbm4b:s7+s24], $0x80, s4, s24, $0xb8;
	[tilespmem:$0x18580] =	vst v63  }
0xc5: {  	_ = 	snop  }
0xc6: {  	[tilespmem:s29], [sflag:$0x7] =	stream.indirect.gather [hbm4b:s12+s24], $0x80, s9, s24, $0xb8;
	[tilespmem:$0x18580] =	vst v63  }
0xc7: {  	_ =	swait.ge [sflag:s15], $0x1000  }
0xc8: {  	[sflag:s15] =	ssyncset.done $0x0  }
0xc9: {  	[sflag:s15] =	ssyncadd.s32 $0xFFFFF000  }
0xca: {  	s6 =	smov.u32 s7;
	_ =	swait.ge [sflag:s16], $0x1000  }
0xcb: {  	s7 =	smov.u32 s12;
	s4 =	sor.u32 $0x200, s26;
	[sflag:s16] =	ssyncset.done $0x0  }
0xcc: {  	s26 =	sadd.s32 s11, s4;
	s12 =	simm.s32 $0x0;
	[sflag:s16] =	ssyncadd.s32 $0xFFFFF000  }
0xcd: {  	[hbm4b:s26+s12] =	stream.linear.scatter [tilespmem:s0], [sflag:$0xA], $0x1000, $0x38;
	[tilespmem:$0x18580] =	vst v63  }
0xce: {  	s4 =	sadd.s32 s13, s4  }
0xcf: {  	[hbm4b:s4+s12] =	stream.linear.scatter [tilespmem:s1], [sflag:$0xC], $0x1000, $0x38;
	[tilespmem:$0x18580] =	vst v63  }
0xd0: {  	_ =	swait.ge [sflag:s17], $0x1000  }
0xd1: {  	[sflag:s17] =	ssyncset.done $0x0  }
0xd2: {  	[sflag:s17] =	ssyncadd.s32 $0xFFFFF000  }
0xd3: {  	_ =	swait.ge [sflag:s18], $0x1000  }
0xd4: {  	[sflag:s18] =	ssyncset.done $0x0  }
0xd5: {  	s26 =	simm.s32 $0x0;
	[sflag:s18] =	ssyncadd.s32 $0xFFFFF000  }
0xd6: {  	v8 =	vld [tilespmem:s26+$0x11580]  }
0xd7: {  	v9 =	vld [tilespmem:s26+$0x135A0]  }
0xd8: {  	v10 =	vld [tilespmem:s26+$0x13590]  }
0xd9: {  	v11 =	vld [tilespmem:s26+$0x11590]  }
0xda: {  	v12 =	vld [tilespmem:s26+$0x13580]  }
0xdb: {  	v13 =	vld [tilespmem:s26+$0x115A0];
	_ =	sdelay $0x1  }
0xdc: {  	v14 =	vld [tilespmem:s26+$0x135B0]  }
0xdd: {  	v15 =	vld [tilespmem:s26+$0x115B0]  }
0xde: {  	v10 =	vmul.f32 v10, v11;
	v11 =	vld [tilespmem:s26+$0x135C0];
	v8 =	vmul.f32 v12, v8  }
0xdf: {  	v12 =	vld [tilespmem:s26+$0x115C0];
	v9 =	vmul.f32 v9, v13  }
0xe0: {  	v16 =	vld [tilespmem:s26+$0x115D0];
	v8 =	vmul.f32 v8, v7;
	v10 =	vmul.f32 v10, v6  }
0xe1: {  	v13 =	vld [tilespmem:s26+$0x135D0]  }
0xe2: {  	v14 =	vmul.f32 v14, v15;
	v15 =	vld [tilespmem:s26+$0x135E0];
	v9 =	vmul.f32 v9, v5;
	v8 =	vadd.f32 v10, v8  }
0xe3: {  	v10 =	vld [tilespmem:s26+$0x115E0]  }
0xe4: {  	v14 =	vmul.f32 v14, v4;
	v11 =	vmul.f32 v11, v12;
	v12 =	vld [tilespmem:s26+$0x115F0];
	v8 =	vadd.f32 v9, v8  }
0xe5: {  	v9 =	vld [tilespmem:s26+$0x135F0]  }
0xe6: {  	v13 =	vmul.f32 v13, v16;
	v11 =	vmul.f32 v11, v3;
	v8 =	vadd.f32 v14, v8;
	_ =	sdelay $0x1  }
0xe7: {  	v13 =	vmul.f32 v13, v2;
	v10 =	vmul.f32 v15, v10;
	v8 =	vadd.f32 v11, v8;
	_ =	sdelay $0x1  }
0xe8: {  	v10 =	vmul.f32 v10, v1;
	v9 =	vmul.f32 v9, v12;
	v11 =	vadd.f32 v13, v8  }
0xe9: {  	v8 =	vmov s10  }
0xea: {  	v9 =	vmul.f32 v9, v0;
	v10 =	vadd.f32 v10, v11;
	_ =	sdelay $0x1  }
0xeb: {  	v9 =	vadd.f32 v9, v10;
	_ =	sdelay $0x1  }
0xec: {  	[tilespmem:v8+s26+$0x0 ss:$0x1] =	vst.idx.msk $0xffff, v9  }
0xed: {  	v9 =	vld [tilespmem:s26+$0x11600]  }
0xee: {  	v10 =	vld [tilespmem:s26+$0x13600]  }
0xef: {  	v11 =	vld [tilespmem:s26+$0x11610]  }
0xf0: {  	v12 =	vld [tilespmem:s26+$0x11620]  }
0xf1: {  	v13 =	vld [tilespmem:s26+$0x13610]  }
0xf2: {  	v14 =	vld [tilespmem:s26+$0x13620]  }
0xf3: {  	v15 =	vld [tilespmem:s26+$0x11630]  }
0xf4: {  	v63 =	vld [tilespmem:s26+$0x13630]  }
0xf5: {  	v17 =	vld [tilespmem:s26+$0x11640]  }
0xf6: {  	v18 =	vld [tilespmem:s26+$0x13640];
	v9 =	vmul.f32 v10, v9;
	v10 =	vmul.f32 v13, v11  }
0xf7: {  	v11 =	vld [tilespmem:s26+$0x11650];
	v12 =	vmul.f32 v14, v12  }
0xf8: {  	v13 =	vld [tilespmem:s26+$0x13650];
	v9 =	vmul.f32 v9, v7;
	v10 =	vmul.f32 v10, v6  }
0xf9: {  	v19 =	vld [tilespmem:s26+$0x11660]  }
0xfa: {  	v20 =	vld [tilespmem:s26+$0x13660];
	v14 =	vmul.f32 v63, v15;
	v9 =	vadd.f32 v10, v9;
	v10 =	vmul.f32 v12, v5;
	_ =	sdelay $0x1  }
0xfb: {  	v14 =	vmul.f32 v14, v4;
	v12 =	vmul.f32 v18, v17;
	v15 =	vadd.f32 v10, v9;
	v9 =	vld [tilespmem:s26+$0x11670]  }
0xfc: {  	v13 =	vmul.f32 v13, v11;
	v10 =	vld [tilespmem:s26+$0x13670]  }
0xfd: {  	v11 =	vmul.f32 v12, v3;
	v14 =	vadd.f32 v14, v15  }
0xfe: {  	s9 =	simm.s32 $0x400;
	v12 =	vmul.f32 v13, v2;
	v13 =	vmul.f32 v20, v19  }
.LBB2_5:
0xff: {  	p0 =	seq.s32 s9, $0x3C00;
	v11 =	vadd.f32 v11, v14;
	s4 =	smov.u32 s9;
	s9 =	sadd.s32 $0x400, s9  }
0x100: {  	_ = 	snop  }
0x101: {  	v11 =	vadd.f32 v12, v11;
	v12 =	vmul.f32 v13, v1;
	v9 =	vmul.f32 v10, v9;
	_ =	sdelay $0x1  }
0x102: {  	v10 =	vadd.f32 v12, v11;
	v9 =	vmul.f32 v9, v0;
	_ =	sdelay $0x1  }
0x103: {  	v9 =	vadd.f32 v9, v10;
	_ =	sdelay $0x1  }
0x104: {  	[tilespmem:v8+s26+$0x80 ss:$0x1] =	vst.idx.msk $0xffff, v9;
	s26 =	sshra.s32 s4, $0x2  }
0x105: {  	v9 =	vld [tilespmem:s26+$0x11580]  }
0x106: {  	v10 =	vld [tilespmem:s26+$0x135A0]  }
0x107: {  	v11 =	vld [tilespmem:s26+$0x13590]  }
0x108: {  	v12 =	vld [tilespmem:s26+$0x11590]  }
0x109: {  	v13 =	vld [tilespmem:s26+$0x13580]  }
0x10a: {  	v14 =	vld [tilespmem:s26+$0x115A0]  }
0x10b: {  	v15 =	vld [tilespmem:s26+$0x135B0]  }
0x10c: {  	v16 =	vld [tilespmem:s26+$0x115B0]  }
0x10d: {  	v11 =	vmul.f32 v11, v12;
	v12 =	vld [tilespmem:s26+$0x135C0]  }
0x10e: {  	v9 =	vmul.f32 v13, v9;
	v13 =	vld [tilespmem:s26+$0x115C0]  }
0x10f: {  	v10 =	vmul.f32 v10, v14;
	v14 =	vld [tilespmem:s26+$0x135D0]  }
0x110: {  	v11 =	vmul.f32 v11, v6;
	v9 =	vmul.f32 v9, v7;
	v17 =	vld [tilespmem:s26+$0x115D0]  }
0x111: {  	v10 =	vmul.f32 v10, v5;
	v15 =	vmul.f32 v15, v16;
	v16 =	vld [tilespmem:s26+$0x135E0]  }
0x112: {  	v9 =	vadd.f32 v11, v9;
	v11 =	vld [tilespmem:s26+$0x115E0]  }
0x113: {  	v15 =	vmul.f32 v15, v4;
	v12 =	vmul.f32 v12, v13  }
0x114: {  	v9 =	vadd.f32 v10, v9;
	v10 =	vld [tilespmem:s26+$0x135F0]  }
0x115: {  	v12 =	vmul.f32 v12, v3;
	v13 =	vmul.f32 v14, v17;
	v14 =	vld [tilespmem:s26+$0x115F0]  }
0x116: {  	v9 =	vadd.f32 v15, v9  }
0x117: {  	v13 =	vmul.f32 v13, v2;
	v11 =	vmul.f32 v16, v11  }
0x118: {  	v9 =	vadd.f32 v12, v9  }
0x119: {  	v11 =	vmul.f32 v11, v1  }
0x11a: {  	v9 =	vadd.f32 v13, v9;
	v10 =	vmul.f32 v10, v14;
	_ =	sdelay $0x1  }
0x11b: {  	v9 =	vadd.f32 v11, v9;
	v10 =	vmul.f32 v10, v0;
	_ =	sdelay $0x1  }
0x11c: {  	v9 =	vadd.f32 v10, v9;
	_ =	sdelay $0x1  }
0x11d: {  	[tilespmem:v8+s26+$0x0 ss:$0x1] =	vst.idx.msk $0xffff, v9  }
0x11e: {  	v9 =	vld [tilespmem:s26+$0x11600]  }
0x11f: {  	v10 =	vld [tilespmem:s26+$0x13600]  }
0x120: {  	v11 =	vld [tilespmem:s26+$0x11610]  }
0x121: {  	v12 =	vld [tilespmem:s26+$0x11620]  }
0x122: {  	v13 =	vld [tilespmem:s26+$0x13610]  }
0x123: {  	v14 =	vld [tilespmem:s26+$0x13620]  }
0x124: {  	v9 =	vmul.f32 v10, v9;
	v10 =	vld [tilespmem:s26+$0x11630]  }
0x125: {  	v15 =	vld [tilespmem:s26+$0x13630]  }
0x126: {  	v16 =	vld [tilespmem:s26+$0x11640]  }
0x127: {  	v11 =	vmul.f32 v13, v11;
	v13 =	vld [tilespmem:s26+$0x13640]  }
0x128: {  	v12 =	vmul.f32 v14, v12;
	v14 =	vld [tilespmem:s26+$0x11650]  }
0x129: {  	v9 =	vmul.f32 v9, v7;
	v11 =	vmul.f32 v11, v6;
	v17 =	vld [tilespmem:s26+$0x13650]  }
0x12a: {  	v10 =	vmul.f32 v15, v10;
	v15 =	vld [tilespmem:s26+$0x11660]  }
0x12b: {  	v12 =	vmul.f32 v12, v5;
	v11 =	vadd.f32 v11, v9;
	v18 =	vld [tilespmem:s26+$0x13660]  }
.Ltmp1:
0x12c: {  	v13 =	vmul.f32 v13, v16;
	v9 =	vld [tilespmem:s26+$0x11670];
	(pc) =	sbr.rel @!p0 .LBB2_5-.Ltmp1, $4  }
0x12d: {  	v11 =	vadd.f32 v12, v11;
	v12 =	vmul.f32 v10, v4  }
0x12e: {  	v16 =	vmul.f32 v17, v14;
	v10 =	vld [tilespmem:s26+$0x13670]  }
0x12f: {  	v14 =	vadd.f32 v12, v11;
	v11 =	vmul.f32 v13, v3  }
0x130: {  	v12 =	vmul.f32 v16, v2;
	v13 =	vmul.f32 v18, v15  }
0x131: {  	v11 =	vadd.f32 v11, v14;
	_ =	sdelay $0x1  }
0x132: {  	v62 =	vmul.f32 v13, v1;
	v11 =	vadd.f32 v12, v11;
	v9 =	vmul.f32 v10, v9;
	_ =	sdelay $0x1  }
0x133: {  	v63 =	vadd.f32 v62, v11;
	v9 =	vmul.f32 v9, v0;
	_ =	sdelay $0x1  }
0x134: {  	v9 =	vadd.f32 v9, v63;
	_ =	sdelay $0x1  }
0x135: {  	[tilespmem:v8+s26+$0x80 ss:$0x1] =	vst.idx.msk $0xffff, v9  }
0x136: {  	_ =	swait.ge [sflag:s19], $0x1000  }
0x137: {  	[sflag:s19] =	ssyncset.done $0x0  }
0x138: {  	[sflag:s19] =	ssyncadd.s32 $0xFFFFF000  }
0x139: {  	_ =	swait.ge [sflag:s21], $0x1000  }
0x13a: {  	[sflag:s21] =	ssyncset.done $0x0  }
0x13b: {  	s4 =	sadd.s32 $0xE0, s25;
	s9 =	simm.s32 $0x11580;
	[sflag:s21] =	ssyncadd.s32 $0xFFFFF000  }
0x13c: {  	[tilespmem:s9], [sflag:$0x2] =	stream.indirect.gather [hbm4b:s31+s24], $0x80, s4, s24, $0xb8;
	[tilespmem:$0x18580] =	vst v63  }
0x13d: {  	s12 =	simm.s32 $0x13580;
	s26 =	sadd.s32 $0x2E0, s25  }
0x13e: {  	[tilespmem:s12], [sflag:$0x4] =	stream.indirect.gather [hbm4b:s5+s24], $0x80, s26, s24, $0xb8;
	[tilespmem:$0x18580] =	vst v63  }
0x13f: {  	_ = 	snop  }
0x140: {  	[tilespmem:s0], [sflag:$0x6] =	stream.indirect.gather [hbm4b:s6+s24], $0x80, s4, s24, $0xb8;
	[tilespmem:$0x18580] =	vst v63  }
0x141: {  	s20 =	sadd.s32 $0x1, s20  }
0x142: {  	[tilespmem:s1], [sflag:$0x8] =	stream.indirect.gather [hbm4b:s7+s24], $0x80, s26, s24, $0xb8;
	[tilespmem:$0x18580] =	vst v63  }
0x143: {  	p0 =	seq.s32 s20, $0x7;
	_ =	swait.ge [sflag:s2], $0x1000  }
.Ltmp2:
0x144: {  	[sflag:s2] =	ssyncset.done $0x0;
	(pc) =	sbr.rel @!p0 .LBB2_2-.Ltmp2, $4  }
0x145: {  	[sflag:s2] =	ssyncadd.s32 $0xFFFFF000  }
0x146: {  	_ =	swait.ge [sflag:s8], $0x1000  }
0x147: {  	[sflag:s8] =	ssyncset.done $0x0  }
0x148: {  	s22 =	sadd.s32 $0x2000, s22;
	s10 =	sadd.s32 $0x2000, s10;
	[sflag:s8] =	ssyncadd.s32 $0xFFFFF000  }
0x149: {  	s4 =	simm.s32 $0x0;
	s9 =	rddreg [dreg:$0xb]  }
0x14a: {  	[hbm4b:s9+s4] =	stream.linear.scatter [tilespmem:s28], [sflag:$0x9], $0x1000, $0x38;
	[tilespmem:$0x18580] =	vst v63  }
0x14b: {  	s26 =	rddreg [dreg:$0xc]  }
0x14c: {  	[hbm4b:s26+s4] =	stream.linear.scatter [tilespmem:s29], [sflag:$0xB], $0x1000, $0x38;
	[tilespmem:$0x18580] =	vst v63  }
0x14d: {  	_ =	swait.ge [sflag:s23], $0x1000  }
0x14e: {  	[sflag:s23] =	ssyncset.done $0x0  }
0x14f: {  	[sflag:s23] =	ssyncadd.s32 $0xFFFFF000  }
0x150: {  	_ =	swait.ge [sflag:s30], $0x1000  }
0x151: {  	[sflag:s30] =	ssyncset.done $0x0  }
0x152: {  	s10 =	simm.s32 $0x0;
	[sflag:s30] =	ssyncadd.s32 $0xFFFFF000  }
0x153: {  	v8 =	vld [tilespmem:s10+$0x10620]  }
0x154: {  	v9 =	vld [tilespmem:s10+$0x10600]  }
0x155: {  	v10 =	vld [tilespmem:s10+$0x12600]  }
0x156: {  	v11 =	vld [tilespmem:s10+$0x10610]  }
0x157: {  	v12 =	vld [tilespmem:s10+$0x12610]  }
0x158: {  	v13 =	vld [tilespmem:s10+$0x12620]  }
0x159: {  	v14 =	vld [tilespmem:s10+$0x10580]  }
0x15a: {  	v15 =	vld [tilespmem:s10+$0x10630]  }
0x15b: {  	v16 =	vld [tilespmem:s10+$0x12630]  }
0x15c: {  	v17 =	vld [tilespmem:s10+$0x10640];
	v9 =	vmul.f32 v10, v9;
	v10 =	vmul.f32 v12, v11  }
0x15d: {  	v11 =	vld [tilespmem:s10+$0x12640];
	v8 =	vmul.f32 v13, v8  }
0x15e: {  	v12 =	vld [tilespmem:s10+$0x10650];
	v9 =	vmul.f32 v9, v7;
	v10 =	vmul.f32 v10, v6  }
0x15f: {  	v13 =	vld [tilespmem:s10+$0x12650]  }
0x160: {  	v18 =	vld [tilespmem:s10+$0x10660];
	v8 =	vmul.f32 v8, v5;
	v9 =	vadd.f32 v10, v9;
	v10 =	vmul.f32 v16, v15  }
0x161: {  	v15 =	vld [tilespmem:s10+$0x12660]  }
0x162: {  	v16 =	vld [tilespmem:s10+$0x10670];
	v8 =	vadd.f32 v8, v9;
	v9 =	vmul.f32 v10, v4;
	v10 =	vmul.f32 v11, v17  }
0x163: {  	v11 =	vld [tilespmem:s10+$0x12670]  }
0x164: {  	v8 =	vadd.f32 v9, v8;
	v9 =	vmul.f32 v10, v3;
	v10 =	vmul.f32 v13, v12;
	v12 =	vld [tilespmem:s10+$0x10590]  }
0x165: {  	v13 =	vld [tilespmem:s10+$0x12590]  }
0x166: {  	v17 =	vld [tilespmem:s10+$0x12580]  }
0x167: {  	v8 =	vadd.f32 v9, v8;
	v9 =	vmul.f32 v10, v2;
	v10 =	vmul.f32 v15, v18;
	v15 =	vld [tilespmem:s10+$0x105A0]  }
0x168: {  	v18 =	vld [tilespmem:s10+$0x125A0]  }
0x169: {  	v8 =	vadd.f32 v9, v8;
	v9 =	vmul.f32 v10, v1;
	v10 =	vmul.f32 v11, v16;
	v11 =	vld [tilespmem:s10+$0x105B0]  }
0x16a: {  	v16 =	vld [tilespmem:s10+$0x125B0];
	v12 =	vmul.f32 v13, v12  }
0x16b: {  	v19 =	vld [tilespmem:s10+$0x105C0];
	v8 =	vadd.f32 v9, v8;
	v9 =	vmul.f32 v10, v0;
	v10 =	vmul.f32 v17, v14  }
0x16c: {  	v14 =	vld [tilespmem:s10+$0x125C0];
	v12 =	vmul.f32 v12, v6  }
0x16d: {  	v17 =	vld [tilespmem:s10+$0x125D0];
	v13 =	vmul.f32 v18, v15;
	v8 =	vadd.f32 v9, v8;
	v10 =	vmul.f32 v10, v7  }
0x16e: {  	v9 =	vld [tilespmem:s10+$0x105D0]  }
0x16f: {  	v18 =	vld [tilespmem:s10+$0x105E0];
	v11 =	vmul.f32 v16, v11;
	[tilespmem:s10+$0xE600] =	vst v8;
	v8 =	vadd.f32 v12, v10;
	v12 =	vmul.f32 v13, v5  }
0x170: {  	v16 =	vld [tilespmem:s10+$0x125E0]  }
0x171: {  	v10 =	vld [tilespmem:s10+$0x105F0];
	v11 =	vmul.f32 v11, v4;
	v14 =	vmul.f32 v14, v19;
	v12 =	vadd.f32 v12, v8  }
0x172: {  	s9 =	simm.s32 $0x100;
	v13 =	vld [tilespmem:s10+$0x125F0]  }
0x173: {  	v8 =	vld [tilespmem:s9+$0x10620];
	v14 =	vmul.f32 v14, v3;
	v15 =	vmul.f32 v17, v9;
	v12 =	vadd.f32 v11, v12  }
0x174: {  	v9 =	vld [tilespmem:s9+$0x10600]  }
0x175: {  	v11 =	vld [tilespmem:s9+$0x12600];
	v16 =	vmul.f32 v16, v18;
	v15 =	vmul.f32 v15, v2;
	v14 =	vadd.f32 v14, v12  }
0x176: {  	s20 =	simm.s32 $0x800;
	v12 =	vld [tilespmem:s9+$0x10610]  }
.LBB2_8:
0x177: {  	p0 =	sne.s32 s20, $0x3C00;
	v17 =	vld [tilespmem:s9+$0x12610];
	v14 =	vadd.f32 v15, v14;
	v15 =	vmul.f32 v16, v1;
	v10 =	vmul.f32 v13, v10  }
0x178: {  	v13 =	vld [tilespmem:s9+$0x12620]  }
0x179: {  	v16 =	vld [tilespmem:s9+$0x10580];
	v14 =	vadd.f32 v15, v14;
	v10 =	vmul.f32 v10, v0  }
0x17a: {  	v15 =	vld [tilespmem:s9+$0x10630]  }
0x17b: {  	v18 =	vld [tilespmem:s9+$0x12630];
	v10 =	vadd.f32 v10, v14  }
0x17c: {  	v9 =	vmul.f32 v11, v9;
	v11 =	vmul.f32 v17, v12;
	v12 =	vld [tilespmem:s9+$0x10640]  }
0x17d: {  	v8 =	vmul.f32 v13, v8;
	v13 =	vld [tilespmem:s9+$0x12640];
	[tilespmem:s10+$0xE580] =	vst v10;
	s10 =	smov.u32 s9  }
0x17e: {  	v9 =	vmul.f32 v9, v7;
	v10 =	vmul.f32 v11, v6;
	v11 =	vld [tilespmem:s10+$0x10650]  }
0x17f: {  	v14 =	vld [tilespmem:s10+$0x12650]  }
0x180: {  	v8 =	vmul.f32 v8, v5;
	v9 =	vadd.f32 v10, v9;
	v10 =	vmul.f32 v18, v15;
	v15 =	vld [tilespmem:s10+$0x10660]  }
0x181: {  	v17 =	vld [tilespmem:s10+$0x12660]  }
0x182: {  	v8 =	vadd.f32 v8, v9;
	v9 =	vmul.f32 v10, v4;
	v10 =	vmul.f32 v13, v12;
	v12 =	vld [tilespmem:s10+$0x10670]  }
0x183: {  	v13 =	vld [tilespmem:s10+$0x12670]  }
0x184: {  	v18 =	vld [tilespmem:s10+$0x12580];
	v8 =	vadd.f32 v9, v8;
	v9 =	vmul.f32 v10, v3;
	v10 =	vmul.f32 v14, v11  }
0x185: {  	v11 =	vld [tilespmem:s10+$0x10590]  }
0x186: {  	v14 =	vld [tilespmem:s10+$0x12590];
	v8 =	vadd.f32 v9, v8;
	v9 =	vmul.f32 v10, v2;
	v10 =	vmul.f32 v17, v15  }
0x187: {  	v15 =	vld [tilespmem:s10+$0x105A0]  }
0x188: {  	v17 =	vld [tilespmem:s10+$0x125A0];
	v8 =	vadd.f32 v9, v8;
	v9 =	vmul.f32 v10, v1;
	v10 =	vmul.f32 v13, v12  }
0x189: {  	v12 =	vmul.f32 v18, v16;
	v13 =	vld [tilespmem:s10+$0x105B0]  }
0x18a: {  	v16 =	vld [tilespmem:s10+$0x125B0];
	v8 =	vadd.f32 v9, v8;
	v9 =	vmul.f32 v10, v0  }
0x18b: {  	v10 =	vmul.f32 v12, v7;
	v11 =	vmul.f32 v14, v11;
	v12 =	vld [tilespmem:s10+$0x105C0]  }
0x18c: {  	v14 =	vld [tilespmem:s10+$0x125C0];
	v8 =	vadd.f32 v9, v8  }
0x18d: {  	v9 =	vmul.f32 v11, v6;
	v11 =	vmul.f32 v17, v15;
	v15 =	vld [tilespmem:s10+$0x105D0]  }
0x18e: {  	v17 =	vld [tilespmem:s10+$0x125D0];
	[tilespmem:s10+$0xE600] =	vst v8  }
0x18f: {  	v8 =	vadd.f32 v9, v10;
	v9 =	vmul.f32 v11, v5;
	v10 =	vmul.f32 v16, v13;
	v16 =	vld [tilespmem:s10+$0x105E0]  }
0x190: {  	v18 =	vld [tilespmem:s10+$0x125E0]  }
0x191: {  	v9 =	vadd.f32 v9, v8;
	v11 =	vmul.f32 v10, v4;
	v12 =	vmul.f32 v14, v12;
	v10 =	vld [tilespmem:s10+$0x105F0]  }
.Ltmp3:
0x192: {  	s9 =	sshra.s32 s20, $0x2;
	v13 =	vld [tilespmem:s10+$0x125F0];
	(pc) =	sbr.rel @p0 .LBB2_8-.Ltmp3, $4  }
0x193: {  	v8 =	vld [tilespmem:s9+$0x10620];
	v14 =	vadd.f32 v11, v9;
	v12 =	vmul.f32 v12, v3;
	v15 =	vmul.f32 v17, v15  }
0x194: {  	v9 =	vld [tilespmem:s9+$0x10600]  }
0x195: {  	v11 =	vld [tilespmem:s9+$0x12600];
	v14 =	vadd.f32 v12, v14;
	v15 =	vmul.f32 v15, v2;
	v16 =	vmul.f32 v18, v16  }
0x196: {  	s20 =	sadd.s32 $0x400, s20;
	v12 =	vld [tilespmem:s9+$0x10610]  }
0x197: {  	v17 =	vld [tilespmem:s9+$0x12610];
	v14 =	vadd.f32 v15, v14;
	v15 =	vmul.f32 v16, v1;
	v10 =	vmul.f32 v13, v10  }
0x198: {  	v13 =	vld [tilespmem:s9+$0x12620]  }
0x199: {  	v16 =	vld [tilespmem:s9+$0x10580];
	v14 =	vadd.f32 v15, v14;
	v10 =	vmul.f32 v10, v0  }
0x19a: {  	v18 =	vld [tilespmem:s9+$0x12630]  }
0x19b: {  	v19 =	vld [tilespmem:s9+$0x12640];
	v10 =	vadd.f32 v10, v14  }
0x19c: {  	v15 =	vld [tilespmem:s9+$0x10630]  }
0x19d: {  	v9 =	vmul.f32 v11, v9;
	v14 =	vld [tilespmem:s9+$0x10640];
	v11 =	vmul.f32 v17, v12;
	[tilespmem:s10+$0xE580] =	vst v10  }
0x19e: {  	v8 =	vmul.f32 v13, v8;
	v10 =	vld [tilespmem:s9+$0x10650]  }
0x19f: {  	v9 =	vmul.f32 v9, v7;
	v11 =	vmul.f32 v11, v6;
	v12 =	vld [tilespmem:s9+$0x12650]  }
0x1a0: {  	v13 =	vld [tilespmem:s9+$0x10660]  }
0x1a1: {  	v8 =	vmul.f32 v8, v5;
	v17 =	vld [tilespmem:s9+$0x10670];
	v9 =	vadd.f32 v11, v9;
	v11 =	vmul.f32 v18, v15  }
0x1a2: {  	v15 =	vld [tilespmem:s9+$0x12660]  }
0x1a3: {  	v18 =	vld [tilespmem:s9+$0x12580];
	v8 =	vadd.f32 v8, v9;
	v9 =	vmul.f32 v11, v4;
	v11 =	vmul.f32 v19, v14  }
0x1a4: {  	v14 =	vld [tilespmem:s9+$0x12670]  }
0x1a5: {  	v10 =	vmul.f32 v12, v10;
	v12 =	vld [tilespmem:s9+$0x12590];
	v8 =	vadd.f32 v9, v8;
	v9 =	vmul.f32 v11, v3  }
0x1a6: {  	v11 =	vld [tilespmem:s9+$0x10590]  }
0x1a7: {  	v8 =	vadd.f32 v9, v8;
	v9 =	vmul.f32 v10, v2;
	v10 =	vmul.f32 v15, v13;
	v13 =	vld [tilespmem:s9+$0x105A0]  }
0x1a8: {  	v15 =	vld [tilespmem:s9+$0x125A0]  }
0x1a9: {  	v8 =	vadd.f32 v9, v8;
	v9 =	vmul.f32 v10, v1;
	v10 =	vmul.f32 v14, v17;
	v14 =	vld [tilespmem:s9+$0x105B0]  }
0x1aa: {  	v16 =	vmul.f32 v18, v16;
	v17 =	vld [tilespmem:s9+$0x125B0]  }
0x1ab: {  	v11 =	vmul.f32 v12, v11;
	v12 =	vld [tilespmem:s9+$0x125C0];
	v8 =	vadd.f32 v9, v8;
	v9 =	vmul.f32 v10, v0  }
0x1ac: {  	v16 =	vmul.f32 v16, v7;
	v10 =	vld [tilespmem:s9+$0x105C0]  }
0x1ad: {  	v11 =	vmul.f32 v11, v6;
	v13 =	vmul.f32 v15, v13;
	v15 =	vld [tilespmem:s9+$0x125D0];
	v8 =	vadd.f32 v9, v8  }
0x1ae: {  	v9 =	vld [tilespmem:s9+$0x105D0]  }
0x1af: {  	[tilespmem:s9+$0xE600] =	vst v8;
	v8 =	vadd.f32 v11, v16;
	v11 =	vmul.f32 v13, v5;
	v13 =	vmul.f32 v17, v14;
	v14 =	vld [tilespmem:s9+$0x105E0]  }
0x1b0: {  	v16 =	vld [tilespmem:s9+$0x125E0]  }
0x1b1: {  	v10 =	vmul.f32 v12, v10;
	v12 =	vld [tilespmem:s9+$0x105F0];
	v8 =	vadd.f32 v11, v8;
	v11 =	vmul.f32 v13, v4  }
0x1b2: {  	v13 =	vld [tilespmem:s9+$0x125F0]  }
0x1b3: {  	v10 =	vmul.f32 v10, v3;
	v9 =	vmul.f32 v15, v9;
	v8 =	vadd.f32 v11, v8;
	_ =	sdelay $0x1  }
0x1b4: {  	v9 =	vmul.f32 v9, v2;
	v8 =	vadd.f32 v10, v8;
	v10 =	vmul.f32 v16, v14;
	_ =	sdelay $0x1  }
0x1b5: {  	v8 =	vadd.f32 v9, v8;
	v9 =	vmul.f32 v10, v1;
	v10 =	vmul.f32 v13, v12;
	_ =	sdelay $0x1  }
0x1b6: {  	v8 =	vadd.f32 v9, v8;
	v9 =	vmul.f32 v10, v0;
	_ =	sdelay $0x1  }
0x1b7: {  	v8 =	vadd.f32 v9, v8;
	_ =	sdelay $0x1  }
0x1b8: {  	[tilespmem:s9+$0xE580] =	vst v8  }
0x1b9: {  	_ =	swait.ge [sflag:s15], $0x1000  }
0x1ba: {  	[sflag:s15] =	ssyncset.done $0x0  }
0x1bb: {  	[sflag:s15] =	ssyncadd.s32 $0xFFFFF000  }
0x1bc: {  	_ =	swait.ge [sflag:s16], $0x1000  }
0x1bd: {  	[sflag:s16] =	ssyncset.done $0x0  }
0x1be: {  	s4 =	simm.s32 $0x0;
	s25 =	rddreg [dreg:$0xd];
	[sflag:s16] =	ssyncadd.s32 $0xFFFFF000  }
0x1bf: {  	[hbm4b:s25+s4] =	stream.linear.scatter [tilespmem:s0], [sflag:$0xA], $0x1000, $0x38;
	[tilespmem:$0x18580] =	vst v63  }
0x1c0: {  	s26 =	rddreg [dreg:$0xe]  }
0x1c1: {  	[hbm4b:s26+s4] =	stream.linear.scatter [tilespmem:s1], [sflag:$0xC], $0x1000, $0x38;
	[tilespmem:$0x18580] =	vst v63  }
0x1c2: {  	_ =	swait.ge [sflag:s17], $0x1000  }
0x1c3: {  	[sflag:s17] =	ssyncset.done $0x0  }
0x1c4: {  	[sflag:s17] =	ssyncadd.s32 $0xFFFFF000  }
0x1c5: {  	_ =	swait.ge [sflag:s18], $0x1000  }
0x1c6: {  	[sflag:s18] =	ssyncset.done $0x0  }
0x1c7: {  	s10 =	simm.s32 $0x0;
	[sflag:s18] =	ssyncadd.s32 $0xFFFFF000  }
0x1c8: {  	v8 =	vld [tilespmem:s10+$0x11620]  }
0x1c9: {  	v9 =	vld [tilespmem:s10+$0x11600]  }
0x1ca: {  	v10 =	vld [tilespmem:s10+$0x13600]  }
0x1cb: {  	v11 =	vld [tilespmem:s10+$0x11610]  }
0x1cc: {  	v12 =	vld [tilespmem:s10+$0x13610]  }
0x1cd: {  	v13 =	vld [tilespmem:s10+$0x13620]  }
0x1ce: {  	v14 =	vld [tilespmem:s10+$0x11580]  }
0x1cf: {  	v15 =	vld [tilespmem:s10+$0x11630]  }
0x1d0: {  	v16 =	vld [tilespmem:s10+$0x13630]  }
0x1d1: {  	v17 =	vld [tilespmem:s10+$0x11640];
	v9 =	vmul.f32 v10, v9;
	v10 =	vmul.f32 v12, v11  }
0x1d2: {  	v11 =	vld [tilespmem:s10+$0x13640];
	v8 =	vmul.f32 v13, v8  }
0x1d3: {  	v12 =	vld [tilespmem:s10+$0x11650];
	v9 =	vmul.f32 v9, v7;
	v10 =	vmul.f32 v10, v6  }
0x1d4: {  	v13 =	vld [tilespmem:s10+$0x13650]  }
0x1d5: {  	v18 =	vld [tilespmem:s10+$0x11660];
	v8 =	vmul.f32 v8, v5;
	v9 =	vadd.f32 v10, v9;
	v10 =	vmul.f32 v16, v15  }
0x1d6: {  	v15 =	vld [tilespmem:s10+$0x13660]  }
0x1d7: {  	v16 =	vld [tilespmem:s10+$0x11670];
	v8 =	vadd.f32 v8, v9;
	v9 =	vmul.f32 v10, v4;
	v10 =	vmul.f32 v11, v17  }
0x1d8: {  	v11 =	vld [tilespmem:s10+$0x13670]  }
0x1d9: {  	v8 =	vadd.f32 v9, v8;
	v9 =	vmul.f32 v10, v3;
	v10 =	vmul.f32 v13, v12;
	v12 =	vld [tilespmem:s10+$0x11590]  }
0x1da: {  	v13 =	vld [tilespmem:s10+$0x13590]  }
0x1db: {  	v17 =	vld [tilespmem:s10+$0x13580]  }
0x1dc: {  	v8 =	vadd.f32 v9, v8;
	v9 =	vmul.f32 v10, v2;
	v10 =	vmul.f32 v15, v18;
	v15 =	vld [tilespmem:s10+$0x115A0]  }
0x1dd: {  	v18 =	vld [tilespmem:s10+$0x135A0]  }
0x1de: {  	v8 =	vadd.f32 v9, v8;
	v9 =	vmul.f32 v10, v1;
	v10 =	vmul.f32 v11, v16;
	v11 =	vld [tilespmem:s10+$0x115B0]  }
0x1df: {  	v16 =	vld [tilespmem:s10+$0x135B0];
	v12 =	vmul.f32 v13, v12  }
0x1e0: {  	v19 =	vld [tilespmem:s10+$0x115C0];
	v8 =	vadd.f32 v9, v8;
	v9 =	vmul.f32 v10, v0;
	v10 =	vmul.f32 v17, v14  }
0x1e1: {  	v14 =	vld [tilespmem:s10+$0x135C0];
	v12 =	vmul.f32 v12, v6  }
0x1e2: {  	v17 =	vld [tilespmem:s10+$0x135D0];
	v13 =	vmul.f32 v18, v15;
	v8 =	vadd.f32 v9, v8;
	v10 =	vmul.f32 v10, v7  }
0x1e3: {  	v9 =	vld [tilespmem:s10+$0x115D0]  }
0x1e4: {  	v18 =	vld [tilespmem:s10+$0x115E0];
	v11 =	vmul.f32 v16, v11;
	[tilespmem:s10+$0xF600] =	vst v8;
	v8 =	vadd.f32 v12, v10;
	v12 =	vmul.f32 v13, v5  }
0x1e5: {  	v16 =	vld [tilespmem:s10+$0x135E0]  }
0x1e6: {  	v10 =	vld [tilespmem:s10+$0x115F0];
	v11 =	vmul.f32 v11, v4;
	v14 =	vmul.f32 v14, v19;
	v12 =	vadd.f32 v12, v8  }
0x1e7: {  	s9 =	simm.s32 $0x100;
	v13 =	vld [tilespmem:s10+$0x135F0]  }
0x1e8: {  	v8 =	vld [tilespmem:s9+$0x11620];
	v14 =	vmul.f32 v14, v3;
	v15 =	vmul.f32 v17, v9;
	v12 =	vadd.f32 v11, v12  }
0x1e9: {  	v9 =	vld [tilespmem:s9+$0x11600]  }
0x1ea: {  	v11 =	vld [tilespmem:s9+$0x13600];
	v16 =	vmul.f32 v16, v18;
	v15 =	vmul.f32 v15, v2;
	v14 =	vadd.f32 v14, v12  }
0x1eb: {  	s20 =	simm.s32 $0x800;
	v12 =	vld [tilespmem:s9+$0x11610]  }
.LBB2_10:
0x1ec: {  	p0 =	seq.s32 s20, $0x3C00;
	v17 =	vld [tilespmem:s9+$0x13610];
	v14 =	vadd.f32 v15, v14;
	v15 =	vmul.f32 v16, v1;
	v10 =	vmul.f32 v13, v10  }
0x1ed: {  	v13 =	vld [tilespmem:s9+$0x13620]  }
0x1ee: {  	v16 =	vld [tilespmem:s9+$0x11580];
	v14 =	vadd.f32 v15, v14;
	v10 =	vmul.f32 v10, v0  }
0x1ef: {  	v15 =	vld [tilespmem:s9+$0x11630]  }
0x1f0: {  	v18 =	vld [tilespmem:s9+$0x13630];
	v10 =	vadd.f32 v10, v14  }
0x1f1: {  	v9 =	vmul.f32 v11, v9;
	v11 =	vmul.f32 v17, v12;
	v12 =	vld [tilespmem:s9+$0x11640]  }
0x1f2: {  	v8 =	vmul.f32 v13, v8;
	v13 =	vld [tilespmem:s9+$0x13640];
	[tilespmem:s10+$0xF580] =	vst v10;
	s10 =	smov.u32 s9  }
0x1f3: {  	v9 =	vmul.f32 v9, v7;
	v10 =	vmul.f32 v11, v6;
	v11 =	vld [tilespmem:s10+$0x11650]  }
0x1f4: {  	v14 =	vld [tilespmem:s10+$0x13650]  }
0x1f5: {  	v8 =	vmul.f32 v8, v5;
	v9 =	vadd.f32 v10, v9;
	v10 =	vmul.f32 v18, v15;
	v15 =	vld [tilespmem:s10+$0x11660]  }
0x1f6: {  	v17 =	vld [tilespmem:s10+$0x13660]  }
0x1f7: {  	v8 =	vadd.f32 v8, v9;
	v9 =	vmul.f32 v10, v4;
	v10 =	vmul.f32 v13, v12;
	v12 =	vld [tilespmem:s10+$0x11670]  }
0x1f8: {  	v13 =	vld [tilespmem:s10+$0x13670]  }
0x1f9: {  	v18 =	vld [tilespmem:s10+$0x13580];
	v8 =	vadd.f32 v9, v8;
	v9 =	vmul.f32 v10, v3;
	v10 =	vmul.f32 v14, v11  }
0x1fa: {  	v11 =	vld [tilespmem:s10+$0x11590]  }
0x1fb: {  	v14 =	vld [tilespmem:s10+$0x13590];
	v8 =	vadd.f32 v9, v8;
	v9 =	vmul.f32 v10, v2;
	v10 =	vmul.f32 v17, v15  }
0x1fc: {  	v15 =	vld [tilespmem:s10+$0x115A0]  }
0x1fd: {  	v17 =	vld [tilespmem:s10+$0x135A0];
	v8 =	vadd.f32 v9, v8;
	v9 =	vmul.f32 v10, v1;
	v10 =	vmul.f32 v13, v12  }
0x1fe: {  	v12 =	vmul.f32 v18, v16;
	v13 =	vld [tilespmem:s10+$0x115B0]  }
0x1ff: {  	v16 =	vld [tilespmem:s10+$0x135B0];
	v8 =	vadd.f32 v9, v8;
	v9 =	vmul.f32 v10, v0  }
0x200: {  	v10 =	vmul.f32 v12, v7;
	v11 =	vmul.f32 v14, v11;
	v12 =	vld [tilespmem:s10+$0x115C0]  }
0x201: {  	v14 =	vld [tilespmem:s10+$0x135C0];
	v8 =	vadd.f32 v9, v8  }
0x202: {  	v9 =	vmul.f32 v11, v6;
	v11 =	vmul.f32 v17, v15;
	v15 =	vld [tilespmem:s10+$0x115D0]  }
0x203: {  	v17 =	vld [tilespmem:s10+$0x135D0];
	[tilespmem:s10+$0xF600] =	vst v8  }
0x204: {  	v8 =	vadd.f32 v9, v10;
	v9 =	vmul.f32 v11, v5;
	v10 =	vmul.f32 v16, v13;
	v16 =	vld [tilespmem:s10+$0x115E0]  }
0x205: {  	v18 =	vld [tilespmem:s10+$0x135E0]  }
0x206: {  	v9 =	vadd.f32 v9, v8;
	v11 =	vmul.f32 v10, v4;
	v12 =	vmul.f32 v14, v12;
	v10 =	vld [tilespmem:s10+$0x115F0]  }
.Ltmp4:
0x207: {  	s9 =	sshra.s32 s20, $0x2;
	v13 =	vld [tilespmem:s10+$0x135F0];
	(pc) =	sbr.rel @!p0 .LBB2_10-.Ltmp4, $4  }
0x208: {  	v8 =	vld [tilespmem:s9+$0x11620];
	v14 =	vadd.f32 v11, v9;
	v12 =	vmul.f32 v12, v3;
	v15 =	vmul.f32 v17, v15  }
0x209: {  	v9 =	vld [tilespmem:s9+$0x11600]  }
0x20a: {  	v11 =	vld [tilespmem:s9+$0x13600];
	v14 =	vadd.f32 v12, v14;
	v15 =	vmul.f32 v15, v2;
	v16 =	vmul.f32 v18, v16  }
0x20b: {  	s20 =	sadd.s32 $0x400, s20;
	v12 =	vld [tilespmem:s9+$0x11610]  }
0x20c: {  	v17 =	vld [tilespmem:s9+$0x13610];
	v14 =	vadd.f32 v15, v14;
	v59 =	vmul.f32 v16, v1;
	v10 =	vmul.f32 v13, v10  }
0x20d: {  	v60 =	vld [tilespmem:s9+$0x13620]  }
0x20e: {  	v61 =	vld [tilespmem:s9+$0x11580];
	v14 =	vadd.f32 v59, v14;
	v10 =	vmul.f32 v10, v0  }
0x20f: {  	v62 =	vld [tilespmem:s9+$0x11630]  }
0x210: {  	v18 =	vld [tilespmem:s9+$0x13630];
	v10 =	vadd.f32 v10, v14  }
0x211: {  	v63 =	vld [tilespmem:s9+$0x11640]  }
0x212: {  	v19 =	vld [tilespmem:s9+$0x13640];
	[tilespmem:s10+$0xF580] =	vst v10  }
0x213: {  	v10 =	vld [tilespmem:s9+$0x11650]  }
0x214: {  	v21 =	vld [tilespmem:s9+$0x13650]  }
0x215: {  	v22 =	vld [tilespmem:s9+$0x11660]  }
0x216: {  	v24 =	vld [tilespmem:s9+$0x13660]  }
0x217: {  	v25 =	vld [tilespmem:s9+$0x11670]  }
0x218: {  	v29 =	vld [tilespmem:s9+$0x13580]  }
0x219: {  	v31 =	vld [tilespmem:s9+$0x11590]  }
0x21a: {  	v32 =	vld [tilespmem:s9+$0x13590]  }
0x21b: {  	v35 =	vld [tilespmem:s9+$0x115A0]  }
0x21c: {  	v9 =	vmul.f32 v11, v9;
	v20 =	vmul.f32 v17, v12;
	v36 =	vld [tilespmem:s9+$0x135A0]  }
0x21d: {  	v28 =	vld [tilespmem:s9+$0x13670]  }
0x21e: {  	v9 =	vmul.f32 v9, v7;
	v11 =	vmul.f32 v20, v6;
	v39 =	vld [tilespmem:s9+$0x115B0]  }
0x21f: {  	v40 =	vld [tilespmem:s9+$0x135B0]  }
0x220: {  	v42 =	vld [tilespmem:s9+$0x115C0];
	v9 =	vadd.f32 v11, v9;
	v16 =	vmul.f32 v29, v61;
	v11 =	vmul.f32 v32, v31  }
0x221: {  	v8 =	vmul.f32 v60, v8;
	v43 =	vld [tilespmem:s9+$0x135C0];
	v47 =	vmul.f32 v36, v35  }
0x222: {  	v45 =	vld [tilespmem:s9+$0x115D0];
	v44 =	vmul.f32 v16, v7;
	v46 =	vmul.f32 v11, v6  }
0x223: {  	v23 =	vmul.f32 v18, v62;
	v8 =	vmul.f32 v8, v5;
	v48 =	vld [tilespmem:s9+$0x135D0]  }
0x224: {  	v51 =	vld [tilespmem:s9+$0x115E0];
	v50 =	vmul.f32 v40, v39;
	v49 =	vmul.f32 v47, v5;
	v6 =	vadd.f32 v46, v44  }
0x225: {  	v27 =	vmul.f32 v19, v63;
	v26 =	vmul.f32 v23, v4;
	v52 =	vld [tilespmem:s9+$0x135E0];
	v8 =	vadd.f32 v8, v9  }
0x226: {  	v55 =	vld [tilespmem:s9+$0x115F0];
	v54 =	vmul.f32 v43, v42;
	v53 =	vmul.f32 v50, v4;
	v5 =	vadd.f32 v49, v6  }
0x227: {  	v30 =	vmul.f32 v27, v3;
	v56 =	vld [tilespmem:s9+$0x135F0];
	v10 =	vmul.f32 v21, v10;
	v8 =	vadd.f32 v26, v8  }
0x228: {  	v58 =	vmul.f32 v48, v45;
	v57 =	vmul.f32 v54, v3;
	v4 =	vadd.f32 v53, v5  }
0x229: {  	v34 =	vmul.f32 v24, v22;
	v33 =	vmul.f32 v10, v2;
	v8 =	vadd.f32 v30, v8  }
0x22a: {  	v60 =	vmul.f32 v52, v51;
	v59 =	vmul.f32 v58, v2;
	v3 =	vadd.f32 v57, v4  }
0x22b: {  	v38 =	vmul.f32 v28, v25;
	v37 =	vmul.f32 v34, v1;
	v8 =	vadd.f32 v33, v8  }
0x22c: {  	v62 =	vmul.f32 v56, v55;
	v61 =	vmul.f32 v60, v1;
	v2 =	vadd.f32 v59, v3  }
0x22d: {  	v41 =	vmul.f32 v38, v0;
	v8 =	vadd.f32 v37, v8  }
0x22e: {  	v63 =	vmul.f32 v62, v0;
	v1 =	vadd.f32 v61, v2  }
0x22f: {  	v8 =	vadd.f32 v41, v8  }
0x230: {  	v0 =	vadd.f32 v63, v1  }
0x231: {  	[tilespmem:s9+$0xF600] =	vst v8  }
0x232: {  	[tilespmem:s9+$0xF580] =	vst v0  }
0x233: {  	s22 =	rddreg [dreg:$0x11];
	_ =	swait.ge [sflag:s3], $0x1000  }
0x234: {  	[sflag:s3] =	ssyncset.done $0x0  }
0x235: {  	[sflag:s3] =	ssyncadd.s32 $0xFFFFF000  }
0x236: {  	_ =	swait.ge [sflag:s14], $0x1000  }
0x237: {  	[sflag:s14] =	ssyncset.done $0x0  }
0x238: {  	[sflag:s14] =	ssyncadd.s32 $0xFFFFF000  }
0x239: {  	_ =	swait.ge [sflag:s19], $0x1000  }
0x23a: {  	[sflag:s19] =	ssyncset.done $0x0  }
0x23b: {  	[sflag:s19] =	ssyncadd.s32 $0xFFFFF000  }
0x23c: {  	_ =	swait.ge [sflag:s21], $0x1000  }
0x23d: {  	s12 =	simm.s32 $0x0;
	s25 =	simm.s32 $0x580;
	[sflag:s21] =	ssyncset.done $0x0  }
0x23e: {  	s20 =	simm.s32 $0xD;
	s4 =	rddreg [dreg:$0xf];
	[sflag:s21] =	ssyncadd.s32 $0xFFFFF000  }
0x23f: {  	[hbm4b:s4+s12] =	stream.linear.scatter [tilespmem:s25], [sflag:$0xD], $0x10000, $0x38;
	[tilespmem:$0x18580] =	vst v63  }
0x240: {  	_ =	swait.ge [sflag:s20], $0x10000  }
0x241: {  	s10 =	sadd.s32 $0x1, s22;
	s26 =	rddreg [dreg:$0x10]  }
0x242: {  	p0 =	sne.s32 s10, s26  }
.Ltmp5:
0x243: {  	_ = 	snop;
	(pc) =	sbr.rel @p0 .LBB2_1-.Ltmp5, $3  }
0x244: {  	_ =	sdelay $0x1  }
0x245: {  	[sflag:s20] =	ssyncset.done $0x0  }
0x246: {  	[sflag:s20] =	ssyncadd.s32 $0xFFFF0000  }
0x247: {  	_ =	sfence.sel $0x180000  }
0x248: {  	[bflag:$0x0] =	sbarrier.arrive $0xFFFF  }
0x249: {  	_ =	strace $0x90000047  }
0x24a: {  	s0 =	stileid.u32;
	[bflag:$0x2] =	sbarrier.arrive $0xFFFF  }
0x24b: {  	p0 =	sne.s32 s0, $0x0;
	s0 =	rddreg [dreg:$0x9]  }
0x24c: {  	s0 =	sadd.s32 @!p0 $0x100000, s0  }
0x24d: {  	[sflag:s0] =	ssyncadd.tile.s32 @!p0 $0x1;
	_ =	shalt  }
.Lfunc_end2:
_tile_overlayer_lowered:
.L_overlay_start_2:
0x24e: {  	(tag) =	ssettag $0x2  }
0x24f: {  	s0 =	rddreg [dreg:$0x0];
	s2 =	stileid.u32  }
0x250: {  	s1 =	rddreg [dreg:$0x1];
	p0 =	sne.s32 s2, $0x0  }
0x251: {  	s3 =	rddreg [dreg:$0x2];
	[bflag:$0x3] =	sbarrier.arrive $0xFFFF;
	s2 =	simm.s32 @!p0 $0x1C0D  }
0x252: {  	[timem:s3], [sflag:s2] =	dma.local @!p0 [hbm:s0], s1  }
0x253: {  	s0 =	simm.s32 @!p0 $0xD  }
0x254: {  	_ =	swait.ge @!p0 [sflag:s0], s1  }
0x255: {  	s1 =	ssub.s32 @!p0 $0x0, s1;
	[sflag:s0] =	ssyncset.done @!p0 $0x0  }
0x256: {  	[sflag:s0] =	ssyncadd.s32 @!p0 s1  }
0x257: {  	[bflag:$0x3] =	sbarrier.arrive $0xFFFF  }
0x258: {  	_ =	shalt  }

</sc_bundles>
